<compile_context>
chip_gen: v7x
topology: tpu7x:2x2x1
jax: 0.10.2.dev20260603
libtpu: 0.0.44.dev20260713+nightly
codegen_flags: <defaults>
</compile_context>

<pallas_src>
import jax
import jax.numpy as jnp
from jax import lax
from jax.experimental import pallas as pl
from jax.experimental.pallas import tpu as pltpu
from jax.experimental.pallas import tpu_sc as plsc

BATCH = 16384
D_NUM = 13
N_CAT = 26
D_TOKEN = 32
N_TOK = D_NUM + N_CAT

_info = plsc.get_sparse_core_info()
NC, NS, L = _info.num_cores, _info.num_subcores, _info.num_lanes
NW = NC * NS
BPW = BATCH // NW

CB = 128
G = BPW // CB
R = CB * N_CAT
K_SUB = 13
N_SUB = R // (K_SUB * L)


def _gather_body(xcatf_hbm, offs_hbm, table_hbm, gath_hbm,
                 xcatf_v, offs_v, rows_v, sem):
    wid = lax.axis_index("s") * NC + lax.axis_index("c")

    pltpu.sync_copy(offs_hbm, offs_v)

    def chunk_body(g, carry):
        base = (wid * BPW + g * CB) * N_CAT

        pltpu.sync_copy(xcatf_hbm.at[pl.ds(base, R)], xcatf_v)

        @plsc.parallel_loop(0, N_SUB, unroll=2)
        def sub_body(s):
            for k in range(K_SUB):
                p = (s * K_SUB + k) * L
                iv = xcatf_v[pl.ds(p, L)] + offs_v[pl.ds(p, L)]
                pltpu.async_copy(table_hbm.at[iv],
                                 rows_v.at[pl.ds(p, L)], sem)

        pltpu.make_async_copy(table_hbm.at[pl.ds(0, R)], rows_v, sem).wait()

        pltpu.sync_copy(rows_v, gath_hbm.at[pl.ds(base, R)])
        return carry

    lax.fori_loop(0, G, chunk_body, 0)


@jax.jit
def _encoder(x_num, x_catf, weight, table, tab_bias, offs_tile):
    mesh = plsc.VectorSubcoreMesh(core_axis_name="c", subcore_axis_name="s")
    gath = pl.kernel(
        _gather_body, mesh=mesh,
        compiler_params=pltpu.CompilerParams(use_tc_tiling_on_sc=False),
        out_type=jax.ShapeDtypeStruct((BATCH * N_CAT, D_TOKEN), jnp.float32),
        scratch_types=[
            pltpu.VMEM((R,), jnp.int32),
            pltpu.VMEM((R,), jnp.int32),
            pltpu.VMEM((R, D_TOKEN), jnp.float32),
            pltpu.SemaphoreType.DMA,
        ],
    )(x_catf, offs_tile, table)

    BLK = 512
    DN = D_NUM * D_TOKEN
    DC = N_CAT * D_TOKEN
    DT = N_TOK * D_TOKEN

    w_exp = (jnp.eye(D_NUM, dtype=jnp.float32)[:, :, None]
             * weight[None, :, :]).reshape(D_NUM, DN)
    b_row = tab_bias.reshape(1, DT)

    def _assemble(xnum_ref, w_ref, b_ref, gath_ref, out_ref):
        xn = xnum_ref[...]
        b = b_ref[...]
        out_ref[:, :DN] = (
            jax.lax.dot_general(xn, w_ref[...], (((1,), (0,)), ((), ())),
                                preferred_element_type=jnp.float32)
            + b[:, :DN])
        out_ref[:, DN:] = gath_ref[...] + b[:, DN:]

    out2 = pl.pallas_call(
        _assemble,
        grid=(BATCH // BLK,),
        in_specs=[
            pl.BlockSpec((BLK, D_NUM), lambda i: (i, 0)),
            pl.BlockSpec((D_NUM, DN), lambda i: (0, 0)),
            pl.BlockSpec((1, DT), lambda i: (0, 0)),
            pl.BlockSpec((BLK, DC), lambda i: (i, 0)),
        ],
        out_specs=pl.BlockSpec((BLK, DT), lambda i: (i, 0)),
        out_shape=jax.ShapeDtypeStruct((BATCH, DT), jnp.float32),
    )(x_num, w_exp, b_row, gath.reshape(BATCH, DC))
    return out2.reshape(BATCH, N_TOK, D_TOKEN)


def kernel(x_num, x_cat, weight, cat_table, tab_bias, category_offsets):
    x_catf = x_cat.reshape(BATCH * N_CAT)
    offs_tile = jnp.tile(category_offsets.astype(jnp.int32), CB)
    return _encoder(x_num, x_catf, weight, cat_table, tab_bias, offs_tile)

# --- scband reference (transcript-rebuilt; emitter-appended) ---
"""Pipeline reference for scband-features-encoder-22969485099917 (READ-ONLY COPY).

The authoritative reference and input builder live on the scoring server;
editing this copy changes nothing except your own understanding.
"""

import jax, jax.numpy as jnp
import numpy as np

BATCH = 16384
D_NUM = 13
N_CAT = 26
CAT_SIZE = 100000
D_TOKEN = 32


def setup_inputs(seed: int = 0) -> dict:
    key = jax.random.key(seed)
    k1, k2, k3, k4, k5 = jax.random.split(key, 5)
    x_num = jax.random.normal(k1, (BATCH, D_NUM), dtype=jnp.float32)
    x_cat = jax.random.randint(k2, (BATCH, N_CAT), 0, CAT_SIZE, dtype=jnp.int32)
    # learned parameters (kaiming-uniform-like init approximated with scaled normal)
    weight = jax.random.normal(k3, (D_NUM, D_TOKEN), dtype=jnp.float32) * 0.1
    cat_table = jax.random.normal(k4, (N_CAT * CAT_SIZE, D_TOKEN), dtype=jnp.float32) * 0.1
    tab_bias = jax.random.normal(k5, (D_NUM + N_CAT, D_TOKEN), dtype=jnp.float32) * 0.1
    # category_offsets = cumsum([0] + categories[:-1]) with uniform category sizes
    category_offsets = (jnp.arange(N_CAT, dtype=jnp.int32) * CAT_SIZE)
    return {
        "x_num": x_num,
        "x_cat": x_cat,
        "weight": weight,
        "cat_table": cat_table,
        "tab_bias": tab_bias,
        "category_offsets": category_offsets,
    }


def reference(x_num, x_cat, weight, cat_table, tab_bias, category_offsets):
    # numerical feature tokens: weight[None] * x_num[:, :, None]
    num_emb = weight[None] * x_num[:, :, None]  # [B, D_NUM, D_TOKEN]
    # categorical embedding lookup with per-field offsets
    cat_idx = x_cat + category_offsets[None]  # [B, N_CAT]
    cat_emb = jnp.take(cat_table, cat_idx, axis=0)  # [B, N_CAT, D_TOKEN]
    tab = jnp.concatenate([num_emb, cat_emb], axis=1)  # [B, D_NUM+N_CAT, D_TOKEN]
    tab = tab + tab_bias[None]
    return tab

if __name__ == "__main__":
    import jax
    _d = setup_inputs()
    print(jax.jit(kernel)(*tuple(_d.values())))

</pallas_src>

<mosaic_0001>
#map = affine_map<(d0, d1) -> (0)>
#map1 = affine_map<(d0, d1) -> (0, 0)>
module attributes {stable_mosaic.version = 14 : i64} {
  func.func @_gather_body(%arg0: i32, %arg1: i32, %arg2: memref<425984xi32, #tpu.memory_space<hbm>>, %arg3: memref<3328xi32, #tpu.memory_space<hbm>>, %arg4: memref<2600000x32xf32, #tpu.memory_space<hbm>>, %arg5: memref<425984x32xf32, #tpu.memory_space<hbm>>, %arg6: memref<3328xi32, #tpu.memory_space<vmem>>, %arg7: memref<3328xi32, #tpu.memory_space<vmem>>, %arg8: memref<3328x32xf32, #tpu.memory_space<vmem>>, %arg9: memref<!tpu.dma_semaphore, #tpu.memory_space<semaphore_mem>>) attributes {dimension_semantics = [#tpu.dimension_semantics<core_parallel>, #tpu.dimension_semantics<subcore_parallel>], iteration_bounds = array<i64: 2, 16>, scalar_prefetch = 0 : i64, scratch_operands = 4 : i64, tpu.core_type = #tpu.core_type<sc_vector_subcore>, window_params = [{transform_indices = #map}, {transform_indices = #map}, {transform_indices = #map1}, {transform_indices = #map1}]} {
    %mul3A = arith.constant 2 : i32
    %mul3A_0 = arith.muli %arg1, %mul3A : i32
    %add3A = arith.addi %mul3A_0, %arg0 : i32
    "tpu.region"() ({
      %run_scoped3A = tpu.sem_alloc : memref<!tpu.dma_semaphore, #tpu.memory_space<semaphore_mem>>
      tpu.enqueue_dma source(%arg3 : memref<3328xi32, #tpu.memory_space<hbm>>) target(%arg7 : memref<3328xi32, #tpu.memory_space<vmem>>) target_semaphore(%run_scoped3A : memref<!tpu.dma_semaphore, #tpu.memory_space<semaphore_mem>>)
      tpu.wait_dma2 semaphore(%run_scoped3A : memref<!tpu.dma_semaphore, #tpu.memory_space<semaphore_mem>>) src(%arg3 : memref<3328xi32, #tpu.memory_space<hbm>>) dst(%arg7 : memref<3328xi32, #tpu.memory_space<vmem>>)
      tpu.yield
    }) : () -> ()
    %scan3A = arith.constant 0 : i32
    %scan3A_1 = arith.constant 0 : i32
    %scan3A_2 = arith.constant 4 : i32
    %scan3A_3 = arith.addi %scan3A_1, %scan3A_2 : i32
    %scan3A_4 = arith.constant 1 : i32
    scf.for %scan3A_6 = %scan3A_1 to %scan3A_3 step %scan3A_4  : i32 {
      %mul3A_7 = arith.constant 512 : i32
      %mul3A_8 = arith.muli %add3A, %mul3A_7 : i32
      %mul3A_9 = arith.constant 128 : i32
      %mul3A_10 = arith.muli %scan3A_6, %mul3A_9 : i32
      %add3A_11 = arith.addi %mul3A_8, %mul3A_10 : i32
      %mul3A_12 = arith.constant 26 : i32
      %mul3A_13 = arith.muli %add3A_11, %mul3A_12 : i32
      "tpu.region"() ({
        %run_scoped3A = tpu.sem_alloc : memref<!tpu.dma_semaphore, #tpu.memory_space<semaphore_mem>>
        %dma_start3A = tpu.memref_slice %arg2[%mul3A_13] : memref<425984xi32, #tpu.memory_space<hbm>> -> memref<3328xi32, #tpu.memory_space<hbm>>
        %dma_start3A_21 = tpu.memref_slice %arg2[%mul3A_13] : memref<425984xi32, #tpu.memory_space<hbm>> -> memref<3328xi32, #tpu.memory_space<hbm>>
        tpu.enqueue_dma source(%dma_start3A_21 : memref<3328xi32, #tpu.memory_space<hbm>>) target(%arg6 : memref<3328xi32, #tpu.memory_space<vmem>>) target_semaphore(%run_scoped3A : memref<!tpu.dma_semaphore, #tpu.memory_space<semaphore_mem>>)
        %dma_wait3A_22 = tpu.memref_slice %arg2[%mul3A_13] : memref<425984xi32, #tpu.memory_space<hbm>> -> memref<3328xi32, #tpu.memory_space<hbm>>
        %dma_wait3A_23 = tpu.memref_slice %arg2[%mul3A_13] : memref<425984xi32, #tpu.memory_space<hbm>> -> memref<3328xi32, #tpu.memory_space<hbm>>
        tpu.wait_dma2 semaphore(%run_scoped3A : memref<!tpu.dma_semaphore, #tpu.memory_space<semaphore_mem>>) src(%dma_wait3A_23 : memref<3328xi32, #tpu.memory_space<hbm>>) dst(%arg6 : memref<3328xi32, #tpu.memory_space<vmem>>)
        tpu.yield
      }) : () -> ()
      %parallel_loop3A = arith.constant 0 : i32
      %parallel_loop3A_14 = arith.constant 16 : i32
      %parallel_loop3A_15 = arith.constant 1 : i32
      scf.for %parallel_loop3A_21 = %parallel_loop3A to %parallel_loop3A_14 step %parallel_loop3A_15  : i32 {
        %parallel_loop3A_22 = arith.constant 13 : i32
        %parallel_loop3A_23 = arith.muli %parallel_loop3A_21, %parallel_loop3A_22 : i32
        %parallel_loop3A_24 = arith.constant 0 : i32
        %parallel_loop3A_25 = arith.addi %parallel_loop3A_23, %parallel_loop3A_24 : i32
        %parallel_loop3A_26 = arith.constant 16 : i32
        %parallel_loop3A_27 = arith.muli %parallel_loop3A_25, %parallel_loop3A_26 : i32
        %parallel_loop3A_28 = arith.index_cast %parallel_loop3A_27 : i32 to index
        %parallel_loop3A_29 = tpu.vector_load %arg6[%parallel_loop3A_28] {strides = array<i32>} : memref<3328xi32, #tpu.memory_space<vmem>>, vector<16xi32>,
        %parallel_loop3A_30 = vector.shape_cast %parallel_loop3A_29 : vector<16xi32> to vector<16xi32>
        %parallel_loop3A_31 = arith.index_cast %parallel_loop3A_27 : i32 to index
        %parallel_loop3A_32 = tpu.vector_load %arg7[%parallel_loop3A_31] {strides = array<i32>} : memref<3328xi32, #tpu.memory_space<vmem>>, vector<16xi32>,
        %parallel_loop3A_33 = vector.shape_cast %parallel_loop3A_32 : vector<16xi32> to vector<16xi32>
        %parallel_loop3A_34 = arith.addi %parallel_loop3A_30, %parallel_loop3A_33 : vector<16xi32>
        %parallel_loop3A_35 = arith.constant 0 : i32
        %parallel_loop3A_36 = tpu.memref_slice %arg8[%parallel_loop3A_27, %parallel_loop3A_35] : memref<3328x32xf32, #tpu.memory_space<vmem>> -> memref<16x32xf32, #tpu.memory_space<vmem>>
        %parallel_loop3A_37 = arith.constant 0 : i32
        %parallel_loop3A_38 = arith.constant 0 : i32
        %parallel_loop3A_39 = tpu.memref_slice %arg4[%parallel_loop3A_37, %parallel_loop3A_38] : memref<2600000x32xf32, #tpu.memory_space<hbm>> -> memref<2600000x32xf32, #tpu.memory_space<hbm>>
        tpu.enqueue_indirect_dma source(%parallel_loop3A_39 : memref<2600000x32xf32, #tpu.memory_space<hbm>>) target(%parallel_loop3A_36 : memref<16x32xf32, #tpu.memory_space<vmem>>) offsets(%parallel_loop3A_34 : vector<16xi32>) semaphore(%arg9 : memref<!tpu.dma_semaphore, #tpu.memory_space<semaphore_mem>>)
        %parallel_loop3A_40 = arith.constant 13 : i32
        %parallel_loop3A_41 = arith.muli %parallel_loop3A_21, %parallel_loop3A_40 : i32
        %parallel_loop3A_42 = arith.constant 1 : i32
        %parallel_loop3A_43 = arith.addi %parallel_loop3A_41, %parallel_loop3A_42 : i32
        %parallel_loop3A_44 = arith.constant 16 : i32
        %parallel_loop3A_45 = arith.muli %parallel_loop3A_43, %parallel_loop3A_44 : i32
        %parallel_loop3A_46 = arith.index_cast %parallel_loop3A_45 : i32 to index
        %parallel_loop3A_47 = tpu.vector_load %arg6[%parallel_loop3A_46] {strides = array<i32>} : memref<3328xi32, #tpu.memory_space<vmem>>, vector<16xi32>,
        %parallel_loop3A_48 = vector.shape_cast %parallel_loop3A_47 : vector<16xi32> to vector<16xi32>
        %parallel_loop3A_49 = arith.index_cast %parallel_loop3A_45 : i32 to index
        %parallel_loop3A_50 = tpu.vector_load %arg7[%parallel_loop3A_49] {strides = array<i32>} : memref<3328xi32, #tpu.memory_space<vmem>>, vector<16xi32>,
        %parallel_loop3A_51 = vector.shape_cast %parallel_loop3A_50 : vector<16xi32> to vector<16xi32>
        %parallel_loop3A_52 = arith.addi %parallel_loop3A_48, %parallel_loop3A_51 : vector<16xi32>
        %parallel_loop3A_53 = arith.constant 0 : i32
        %parallel_loop3A_54 = tpu.memref_slice %arg8[%parallel_loop3A_45, %parallel_loop3A_53] : memref<3328x32xf32, #tpu.memory_space<vmem>> -> memref<16x32xf32, #tpu.memory_space<vmem>>
        %parallel_loop3A_55 = arith.constant 0 : i32
        %parallel_loop3A_56 = arith.constant 0 : i32
        %parallel_loop3A_57 = tpu.memref_slice %arg4[%parallel_loop3A_55, %parallel_loop3A_56] : memref<2600000x32xf32, #tpu.memory_space<hbm>> -> memref<2600000x32xf32, #tpu.memory_space<hbm>>
        tpu.enqueue_indirect_dma source(%parallel_loop3A_57 : memref<2600000x32xf32, #tpu.memory_space<hbm>>) target(%parallel_loop3A_54 : memref<16x32xf32, #tpu.memory_space<vmem>>) offsets(%parallel_loop3A_52 : vector<16xi32>) semaphore(%arg9 : memref<!tpu.dma_semaphore, #tpu.memory_space<semaphore_mem>>)
        %parallel_loop3A_58 = arith.constant 13 : i32
        %parallel_loop3A_59 = arith.muli %parallel_loop3A_21, %parallel_loop3A_58 : i32
        %parallel_loop3A_60 = arith.constant 2 : i32
        %parallel_loop3A_61 = arith.addi %parallel_loop3A_59, %parallel_loop3A_60 : i32
        %parallel_loop3A_62 = arith.constant 16 : i32
        %parallel_loop3A_63 = arith.muli %parallel_loop3A_61, %parallel_loop3A_62 : i32
        %parallel_loop3A_64 = arith.index_cast %parallel_loop3A_63 : i32 to index
        %parallel_loop3A_65 = tpu.vector_load %arg6[%parallel_loop3A_64] {strides = array<i32>} : memref<3328xi32, #tpu.memory_space<vmem>>, vector<16xi32>,
        %parallel_loop3A_66 = vector.shape_cast %parallel_loop3A_65 : vector<16xi32> to vector<16xi32>
        %parallel_loop3A_67 = arith.index_cast %parallel_loop3A_63 : i32 to index
        %parallel_loop3A_68 = tpu.vector_load %arg7[%parallel_loop3A_67] {strides = array<i32>} : memref<3328xi32, #tpu.memory_space<vmem>>, vector<16xi32>,
        %parallel_loop3A_69 = vector.shape_cast %parallel_loop3A_68 : vector<16xi32> to vector<16xi32>
        %parallel_loop3A_70 = arith.addi %parallel_loop3A_66, %parallel_loop3A_69 : vector<16xi32>
        %parallel_loop3A_71 = arith.constant 0 : i32
        %parallel_loop3A_72 = tpu.memref_slice %arg8[%parallel_loop3A_63, %parallel_loop3A_71] : memref<3328x32xf32, #tpu.memory_space<vmem>> -> memref<16x32xf32, #tpu.memory_space<vmem>>
        %parallel_loop3A_73 = arith.constant 0 : i32
        %parallel_loop3A_74 = arith.constant 0 : i32
        %parallel_loop3A_75 = tpu.memref_slice %arg4[%parallel_loop3A_73, %parallel_loop3A_74] : memref<2600000x32xf32, #tpu.memory_space<hbm>> -> memref<2600000x32xf32, #tpu.memory_space<hbm>>
        tpu.enqueue_indirect_dma source(%parallel_loop3A_75 : memref<2600000x32xf32, #tpu.memory_space<hbm>>) target(%parallel_loop3A_72 : memref<16x32xf32, #tpu.memory_space<vmem>>) offsets(%parallel_loop3A_70 : vector<16xi32>) semaphore(%arg9 : memref<!tpu.dma_semaphore, #tpu.memory_space<semaphore_mem>>)
        %parallel_loop3A_76 = arith.constant 13 : i32
        %parallel_loop3A_77 = arith.muli %parallel_loop3A_21, %parallel_loop3A_76 : i32
        %parallel_loop3A_78 = arith.constant 3 : i32
        %parallel_loop3A_79 = arith.addi %parallel_loop3A_77, %parallel_loop3A_78 : i32
        %parallel_loop3A_80 = arith.constant 16 : i32
        %parallel_loop3A_81 = arith.muli %parallel_loop3A_79, %parallel_loop3A_80 : i32
        %parallel_loop3A_82 = arith.index_cast %parallel_loop3A_81 : i32 to index
        %parallel_loop3A_83 = tpu.vector_load %arg6[%parallel_loop3A_82] {strides = array<i32>} : memref<3328xi32, #tpu.memory_space<vmem>>, vector<16xi32>,
        %parallel_loop3A_84 = vector.shape_cast %parallel_loop3A_83 : vector<16xi32> to vector<16xi32>
        %parallel_loop3A_85 = arith.index_cast %parallel_loop3A_81 : i32 to index
        %parallel_loop3A_86 = tpu.vector_load %arg7[%parallel_loop3A_85] {strides = array<i32>} : memref<3328xi32, #tpu.memory_space<vmem>>, vector<16xi32>,
        %parallel_loop3A_87 = vector.shape_cast %parallel_loop3A_86 : vector<16xi32> to vector<16xi32>
        %parallel_loop3A_88 = arith.addi %parallel_loop3A_84, %parallel_loop3A_87 : vector<16xi32>
        %parallel_loop3A_89 = arith.constant 0 : i32
        %parallel_loop3A_90 = tpu.memref_slice %arg8[%parallel_loop3A_81, %parallel_loop3A_89] : memref<3328x32xf32, #tpu.memory_space<vmem>> -> memref<16x32xf32, #tpu.memory_space<vmem>>
        %parallel_loop3A_91 = arith.constant 0 : i32
        %parallel_loop3A_92 = arith.constant 0 : i32
        %parallel_loop3A_93 = tpu.memref_slice %arg4[%parallel_loop3A_91, %parallel_loop3A_92] : memref<2600000x32xf32, #tpu.memory_space<hbm>> -> memref<2600000x32xf32, #tpu.memory_space<hbm>>
        tpu.enqueue_indirect_dma source(%parallel_loop3A_93 : memref<2600000x32xf32, #tpu.memory_space<hbm>>) target(%parallel_loop3A_90 : memref<16x32xf32, #tpu.memory_space<vmem>>) offsets(%parallel_loop3A_88 : vector<16xi32>) semaphore(%arg9 : memref<!tpu.dma_semaphore, #tpu.memory_space<semaphore_mem>>)
        %parallel_loop3A_94 = arith.constant 13 : i32
        %parallel_loop3A_95 = arith.muli %parallel_loop3A_21, %parallel_loop3A_94 : i32
        %parallel_loop3A_96 = arith.constant 4 : i32
        %parallel_loop3A_97 = arith.addi %parallel_loop3A_95, %parallel_loop3A_96 : i32
        %parallel_loop3A_98 = arith.constant 16 : i32
        %parallel_loop3A_99 = arith.muli %parallel_loop3A_97, %parallel_loop3A_98 : i32
        %parallel_loop3A_100 = arith.index_cast %parallel_loop3A_99 : i32 to index
        %parallel_loop3A_101 = tpu.vector_load %arg6[%parallel_loop3A_100] {strides = array<i32>} : memref<3328xi32, #tpu.memory_space<vmem>>, vector<16xi32>,
        %parallel_loop3A_102 = vector.shape_cast %parallel_loop3A_101 : vector<16xi32> to vector<16xi32>
        %parallel_loop3A_103 = arith.index_cast %parallel_loop3A_99 : i32 to index
        %parallel_loop3A_104 = tpu.vector_load %arg7[%parallel_loop3A_103] {strides = array<i32>} : memref<3328xi32, #tpu.memory_space<vmem>>, vector<16xi32>,
        %parallel_loop3A_105 = vector.shape_cast %parallel_loop3A_104 : vector<16xi32> to vector<16xi32>
        %parallel_loop3A_106 = arith.addi %parallel_loop3A_102, %parallel_loop3A_105 : vector<16xi32>
        %parallel_loop3A_107 = arith.constant 0 : i32
        %parallel_loop3A_108 = tpu.memref_slice %arg8[%parallel_loop3A_99, %parallel_loop3A_107] : memref<3328x32xf32, #tpu.memory_space<vmem>> -> memref<16x32xf32, #tpu.memory_space<vmem>>
        %parallel_loop3A_109 = arith.constant 0 : i32
        %parallel_loop3A_110 = arith.constant 0 : i32
        %parallel_loop3A_111 = tpu.memref_slice %arg4[%parallel_loop3A_109, %parallel_loop3A_110] : memref<2600000x32xf32, #tpu.memory_space<hbm>> -> memref<2600000x32xf32, #tpu.memory_space<hbm>>
        tpu.enqueue_indirect_dma source(%parallel_loop3A_111 : memref<2600000x32xf32, #tpu.memory_space<hbm>>) target(%parallel_loop3A_108 : memref<16x32xf32, #tpu.memory_space<vmem>>) offsets(%parallel_loop3A_106 : vector<16xi32>) semaphore(%arg9 : memref<!tpu.dma_semaphore, #tpu.memory_space<semaphore_mem>>)
        %parallel_loop3A_112 = arith.constant 13 : i32
        %parallel_loop3A_113 = arith.muli %parallel_loop3A_21, %parallel_loop3A_112 : i32
        %parallel_loop3A_114 = arith.constant 5 : i32
        %parallel_loop3A_115 = arith.addi %parallel_loop3A_113, %parallel_loop3A_114 : i32
        %parallel_loop3A_116 = arith.constant 16 : i32
        %parallel_loop3A_117 = arith.muli %parallel_loop3A_115, %parallel_loop3A_116 : i32
        %parallel_loop3A_118 = arith.index_cast %parallel_loop3A_117 : i32 to index
        %parallel_loop3A_119 = tpu.vector_load %arg6[%parallel_loop3A_118] {strides = array<i32>} : memref<3328xi32, #tpu.memory_space<vmem>>, vector<16xi32>,
        %parallel_loop3A_120 = vector.shape_cast %parallel_loop3A_119 : vector<16xi32> to vector<16xi32>
        %parallel_loop3A_121 = arith.index_cast %parallel_loop3A_117 : i32 to index
        %parallel_loop3A_122 = tpu.vector_load %arg7[%parallel_loop3A_121] {strides = array<i32>} : memref<3328xi32, #tpu.memory_space<vmem>>, vector<16xi32>,
        %parallel_loop3A_123 = vector.shape_cast %parallel_loop3A_122 : vector<16xi32> to vector<16xi32>
        %parallel_loop3A_124 = arith.addi %parallel_loop3A_120, %parallel_loop3A_123 : vector<16xi32>
        %parallel_loop3A_125 = arith.constant 0 : i32
        %parallel_loop3A_126 = tpu.memref_slice %arg8[%parallel_loop3A_117, %parallel_loop3A_125] : memref<3328x32xf32, #tpu.memory_space<vmem>> -> memref<16x32xf32, #tpu.memory_space<vmem>>
        %parallel_loop3A_127 = arith.constant 0 : i32
        %parallel_loop3A_128 = arith.constant 0 : i32
        %parallel_loop3A_129 = tpu.memref_slice %arg4[%parallel_loop3A_127, %parallel_loop3A_128] : memref<2600000x32xf32, #tpu.memory_space<hbm>> -> memref<2600000x32xf32, #tpu.memory_space<hbm>>
        tpu.enqueue_indirect_dma source(%parallel_loop3A_129 : memref<2600000x32xf32, #tpu.memory_space<hbm>>) target(%parallel_loop3A_126 : memref<16x32xf32, #tpu.memory_space<vmem>>) offsets(%parallel_loop3A_124 : vector<16xi32>) semaphore(%arg9 : memref<!tpu.dma_semaphore, #tpu.memory_space<semaphore_mem>>)
        %parallel_loop3A_130 = arith.constant 13 : i32
        %parallel_loop3A_131 = arith.muli %parallel_loop3A_21, %parallel_loop3A_130 : i32
        %parallel_loop3A_132 = arith.constant 6 : i32
        %parallel_loop3A_133 = arith.addi %parallel_loop3A_131, %parallel_loop3A_132 : i32
        %parallel_loop3A_134 = arith.constant 16 : i32
        %parallel_loop3A_135 = arith.muli %parallel_loop3A_133, %parallel_loop3A_134 : i32
        %parallel_loop3A_136 = arith.index_cast %parallel_loop3A_135 : i32 to index
        %parallel_loop3A_137 = tpu.vector_load %arg6[%parallel_loop3A_136] {strides = array<i32>} : memref<3328xi32, #tpu.memory_space<vmem>>, vector<16xi32>,
        %parallel_loop3A_138 = vector.shape_cast %parallel_loop3A_137 : vector<16xi32> to vector<16xi32>
        %parallel_loop3A_139 = arith.index_cast %parallel_loop3A_135 : i32 to index
        %parallel_loop3A_140 = tpu.vector_load %arg7[%parallel_loop3A_139] {strides = array<i32>} : memref<3328xi32, #tpu.memory_space<vmem>>, vector<16xi32>,
        %parallel_loop3A_141 = vector.shape_cast %parallel_loop3A_140 : vector<16xi32> to vector<16xi32>
        %parallel_loop3A_142 = arith.addi %parallel_loop3A_138, %parallel_loop3A_141 : vector<16xi32>
        %parallel_loop3A_143 = arith.constant 0 : i32
        %parallel_loop3A_144 = tpu.memref_slice %arg8[%parallel_loop3A_135, %parallel_loop3A_143] : memref<3328x32xf32, #tpu.memory_space<vmem>> -> memref<16x32xf32, #tpu.memory_space<vmem>>
        %parallel_loop3A_145 = arith.constant 0 : i32
        %parallel_loop3A_146 = arith.constant 0 : i32
        %parallel_loop3A_147 = tpu.memref_slice %arg4[%parallel_loop3A_145, %parallel_loop3A_146] : memref<2600000x32xf32, #tpu.memory_space<hbm>> -> memref<2600000x32xf32, #tpu.memory_space<hbm>>
        tpu.enqueue_indirect_dma source(%parallel_loop3A_147 : memref<2600000x32xf32, #tpu.memory_space<hbm>>) target(%parallel_loop3A_144 : memref<16x32xf32, #tpu.memory_space<vmem>>) offsets(%parallel_loop3A_142 : vector<16xi32>) semaphore(%arg9 : memref<!tpu.dma_semaphore, #tpu.memory_space<semaphore_mem>>)
        %parallel_loop3A_148 = arith.constant 13 : i32
        %parallel_loop3A_149 = arith.muli %parallel_loop3A_21, %parallel_loop3A_148 : i32
        %parallel_loop3A_150 = arith.constant 7 : i32
        %parallel_loop3A_151 = arith.addi %parallel_loop3A_149, %parallel_loop3A_150 : i32
        %parallel_loop3A_152 = arith.constant 16 : i32
        %parallel_loop3A_153 = arith.muli %parallel_loop3A_151, %parallel_loop3A_152 : i32
        %parallel_loop3A_154 = arith.index_cast %parallel_loop3A_153 : i32 to index
        %parallel_loop3A_155 = tpu.vector_load %arg6[%parallel_loop3A_154] {strides = array<i32>} : memref<3328xi32, #tpu.memory_space<vmem>>, vector<16xi32>,
        %parallel_loop3A_156 = vector.shape_cast %parallel_loop3A_155 : vector<16xi32> to vector<16xi32>
        %parallel_loop3A_157 = arith.index_cast %parallel_loop3A_153 : i32 to index
        %parallel_loop3A_158 = tpu.vector_load %arg7[%parallel_loop3A_157] {strides = array<i32>} : memref<3328xi32, #tpu.memory_space<vmem>>, vector<16xi32>,
        %parallel_loop3A_159 = vector.shape_cast %parallel_loop3A_158 : vector<16xi32> to vector<16xi32>
        %parallel_loop3A_160 = arith.addi %parallel_loop3A_156, %parallel_loop3A_159 : vector<16xi32>
        %parallel_loop3A_161 = arith.constant 0 : i32
        %parallel_loop3A_162 = tpu.memref_slice %arg8[%parallel_loop3A_153, %parallel_loop3A_161] : memref<3328x32xf32, #tpu.memory_space<vmem>> -> memref<16x32xf32, #tpu.memory_space<vmem>>
        %parallel_loop3A_163 = arith.constant 0 : i32
        %parallel_loop3A_164 = arith.constant 0 : i32
        %parallel_loop3A_165 = tpu.memref_slice %arg4[%parallel_loop3A_163, %parallel_loop3A_164] : memref<2600000x32xf32, #tpu.memory_space<hbm>> -> memref<2600000x32xf32, #tpu.memory_space<hbm>>
        tpu.enqueue_indirect_dma source(%parallel_loop3A_165 : memref<2600000x32xf32, #tpu.memory_space<hbm>>) target(%parallel_loop3A_162 : memref<16x32xf32, #tpu.memory_space<vmem>>) offsets(%parallel_loop3A_160 : vector<16xi32>) semaphore(%arg9 : memref<!tpu.dma_semaphore, #tpu.memory_space<semaphore_mem>>)
        %parallel_loop3A_166 = arith.constant 13 : i32
        %parallel_loop3A_167 = arith.muli %parallel_loop3A_21, %parallel_loop3A_166 : i32
        %parallel_loop3A_168 = arith.constant 8 : i32
        %parallel_loop3A_169 = arith.addi %parallel_loop3A_167, %parallel_loop3A_168 : i32
        %parallel_loop3A_170 = arith.constant 16 : i32
        %parallel_loop3A_171 = arith.muli %parallel_loop3A_169, %parallel_loop3A_170 : i32
        %parallel_loop3A_172 = arith.index_cast %parallel_loop3A_171 : i32 to index
        %parallel_loop3A_173 = tpu.vector_load %arg6[%parallel_loop3A_172] {strides = array<i32>} : memref<3328xi32, #tpu.memory_space<vmem>>, vector<16xi32>,
        %parallel_loop3A_174 = vector.shape_cast %parallel_loop3A_173 : vector<16xi32> to vector<16xi32>
        %parallel_loop3A_175 = arith.index_cast %parallel_loop3A_171 : i32 to index
        %parallel_loop3A_176 = tpu.vector_load %arg7[%parallel_loop3A_175] {strides = array<i32>} : memref<3328xi32, #tpu.memory_space<vmem>>, vector<16xi32>,
        %parallel_loop3A_177 = vector.shape_cast %parallel_loop3A_176 : vector<16xi32> to vector<16xi32>
        %parallel_loop3A_178 = arith.addi %parallel_loop3A_174, %parallel_loop3A_177 : vector<16xi32>
        %parallel_loop3A_179 = arith.constant 0 : i32
        %parallel_loop3A_180 = tpu.memref_slice %arg8[%parallel_loop3A_171, %parallel_loop3A_179] : memref<3328x32xf32, #tpu.memory_space<vmem>> -> memref<16x32xf32, #tpu.memory_space<vmem>>
        %parallel_loop3A_181 = arith.constant 0 : i32
        %parallel_loop3A_182 = arith.constant 0 : i32
        %parallel_loop3A_183 = tpu.memref_slice %arg4[%parallel_loop3A_181, %parallel_loop3A_182] : memref<2600000x32xf32, #tpu.memory_space<hbm>> -> memref<2600000x32xf32, #tpu.memory_space<hbm>>
        tpu.enqueue_indirect_dma source(%parallel_loop3A_183 : memref<2600000x32xf32, #tpu.memory_space<hbm>>) target(%parallel_loop3A_180 : memref<16x32xf32, #tpu.memory_space<vmem>>) offsets(%parallel_loop3A_178 : vector<16xi32>) semaphore(%arg9 : memref<!tpu.dma_semaphore, #tpu.memory_space<semaphore_mem>>)
        %parallel_loop3A_184 = arith.constant 13 : i32
        %parallel_loop3A_185 = arith.muli %parallel_loop3A_21, %parallel_loop3A_184 : i32
        %parallel_loop3A_186 = arith.constant 9 : i32
        %parallel_loop3A_187 = arith.addi %parallel_loop3A_185, %parallel_loop3A_186 : i32
        %parallel_loop3A_188 = arith.constant 16 : i32
        %parallel_loop3A_189 = arith.muli %parallel_loop3A_187, %parallel_loop3A_188 : i32
        %parallel_loop3A_190 = arith.index_cast %parallel_loop3A_189 : i32 to index
        %parallel_loop3A_191 = tpu.vector_load %arg6[%parallel_loop3A_190] {strides = array<i32>} : memref<3328xi32, #tpu.memory_space<vmem>>, vector<16xi32>,
        %parallel_loop3A_192 = vector.shape_cast %parallel_loop3A_191 : vector<16xi32> to vector<16xi32>
        %parallel_loop3A_193 = arith.index_cast %parallel_loop3A_189 : i32 to index
        %parallel_loop3A_194 = tpu.vector_load %arg7[%parallel_loop3A_193] {strides = array<i32>} : memref<3328xi32, #tpu.memory_space<vmem>>, vector<16xi32>,
        %parallel_loop3A_195 = vector.shape_cast %parallel_loop3A_194 : vector<16xi32> to vector<16xi32>
        %parallel_loop3A_196 = arith.addi %parallel_loop3A_192, %parallel_loop3A_195 : vector<16xi32>
        %parallel_loop3A_197 = arith.constant 0 : i32
        %parallel_loop3A_198 = tpu.memref_slice %arg8[%parallel_loop3A_189, %parallel_loop3A_197] : memref<3328x32xf32, #tpu.memory_space<vmem>> -> memref<16x32xf32, #tpu.memory_space<vmem>>
        %parallel_loop3A_199 = arith.constant 0 : i32
        %parallel_loop3A_200 = arith.constant 0 : i32
        %parallel_loop3A_201 = tpu.memref_slice %arg4[%parallel_loop3A_199, %parallel_loop3A_200] : memref<2600000x32xf32, #tpu.memory_space<hbm>> -> memref<2600000x32xf32, #tpu.memory_space<hbm>>
        tpu.enqueue_indirect_dma source(%parallel_loop3A_201 : memref<2600000x32xf32, #tpu.memory_space<hbm>>) target(%parallel_loop3A_198 : memref<16x32xf32, #tpu.memory_space<vmem>>) offsets(%parallel_loop3A_196 : vector<16xi32>) semaphore(%arg9 : memref<!tpu.dma_semaphore, #tpu.memory_space<semaphore_mem>>)
        %parallel_loop3A_202 = arith.constant 13 : i32
        %parallel_loop3A_203 = arith.muli %parallel_loop3A_21, %parallel_loop3A_202 : i32
        %parallel_loop3A_204 = arith.constant 10 : i32
        %parallel_loop3A_205 = arith.addi %parallel_loop3A_203, %parallel_loop3A_204 : i32
        %parallel_loop3A_206 = arith.constant 16 : i32
        %parallel_loop3A_207 = arith.muli %parallel_loop3A_205, %parallel_loop3A_206 : i32
        %parallel_loop3A_208 = arith.index_cast %parallel_loop3A_207 : i32 to index
        %parallel_loop3A_209 = tpu.vector_load %arg6[%parallel_loop3A_208] {strides = array<i32>} : memref<3328xi32, #tpu.memory_space<vmem>>, vector<16xi32>,
        %parallel_loop3A_210 = vector.shape_cast %parallel_loop3A_209 : vector<16xi32> to vector<16xi32>
        %parallel_loop3A_211 = arith.index_cast %parallel_loop3A_207 : i32 to index
        %parallel_loop3A_212 = tpu.vector_load %arg7[%parallel_loop3A_211] {strides = array<i32>} : memref<3328xi32, #tpu.memory_space<vmem>>, vector<16xi32>,
        %parallel_loop3A_213 = vector.shape_cast %parallel_loop3A_212 : vector<16xi32> to vector<16xi32>
        %parallel_loop3A_214 = arith.addi %parallel_loop3A_210, %parallel_loop3A_213 : vector<16xi32>
        %parallel_loop3A_215 = arith.constant 0 : i32
        %parallel_loop3A_216 = tpu.memref_slice %arg8[%parallel_loop3A_207, %parallel_loop3A_215] : memref<3328x32xf32, #tpu.memory_space<vmem>> -> memref<16x32xf32, #tpu.memory_space<vmem>>
        %parallel_loop3A_217 = arith.constant 0 : i32
        %parallel_loop3A_218 = arith.constant 0 : i32
        %parallel_loop3A_219 = tpu.memref_slice %arg4[%parallel_loop3A_217, %parallel_loop3A_218] : memref<2600000x32xf32, #tpu.memory_space<hbm>> -> memref<2600000x32xf32, #tpu.memory_space<hbm>>
        tpu.enqueue_indirect_dma source(%parallel_loop3A_219 : memref<2600000x32xf32, #tpu.memory_space<hbm>>) target(%parallel_loop3A_216 : memref<16x32xf32, #tpu.memory_space<vmem>>) offsets(%parallel_loop3A_214 : vector<16xi32>) semaphore(%arg9 : memref<!tpu.dma_semaphore, #tpu.memory_space<semaphore_mem>>)
        %parallel_loop3A_220 = arith.constant 13 : i32
        %parallel_loop3A_221 = arith.muli %parallel_loop3A_21, %parallel_loop3A_220 : i32
        %parallel_loop3A_222 = arith.constant 11 : i32
        %parallel_loop3A_223 = arith.addi %parallel_loop3A_221, %parallel_loop3A_222 : i32
        %parallel_loop3A_224 = arith.constant 16 : i32
        %parallel_loop3A_225 = arith.muli %parallel_loop3A_223, %parallel_loop3A_224 : i32
        %parallel_loop3A_226 = arith.index_cast %parallel_loop3A_225 : i32 to index
        %parallel_loop3A_227 = tpu.vector_load %arg6[%parallel_loop3A_226] {strides = array<i32>} : memref<3328xi32, #tpu.memory_space<vmem>>, vector<16xi32>,
        %parallel_loop3A_228 = vector.shape_cast %parallel_loop3A_227 : vector<16xi32> to vector<16xi32>
        %parallel_loop3A_229 = arith.index_cast %parallel_loop3A_225 : i32 to index
        %parallel_loop3A_230 = tpu.vector_load %arg7[%parallel_loop3A_229] {strides = array<i32>} : memref<3328xi32, #tpu.memory_space<vmem>>, vector<16xi32>,
        %parallel_loop3A_231 = vector.shape_cast %parallel_loop3A_230 : vector<16xi32> to vector<16xi32>
        %parallel_loop3A_232 = arith.addi %parallel_loop3A_228, %parallel_loop3A_231 : vector<16xi32>
        %parallel_loop3A_233 = arith.constant 0 : i32
        %parallel_loop3A_234 = tpu.memref_slice %arg8[%parallel_loop3A_225, %parallel_loop3A_233] : memref<3328x32xf32, #tpu.memory_space<vmem>> -> memref<16x32xf32, #tpu.memory_space<vmem>>
        %parallel_loop3A_235 = arith.constant 0 : i32
        %parallel_loop3A_236 = arith.constant 0 : i32
        %parallel_loop3A_237 = tpu.memref_slice %arg4[%parallel_loop3A_235, %parallel_loop3A_236] : memref<2600000x32xf32, #tpu.memory_space<hbm>> -> memref<2600000x32xf32, #tpu.memory_space<hbm>>
        tpu.enqueue_indirect_dma source(%parallel_loop3A_237 : memref<2600000x32xf32, #tpu.memory_space<hbm>>) target(%parallel_loop3A_234 : memref<16x32xf32, #tpu.memory_space<vmem>>) offsets(%parallel_loop3A_232 : vector<16xi32>) semaphore(%arg9 : memref<!tpu.dma_semaphore, #tpu.memory_space<semaphore_mem>>)
        %parallel_loop3A_238 = arith.constant 13 : i32
        %parallel_loop3A_239 = arith.muli %parallel_loop3A_21, %parallel_loop3A_238 : i32
        %parallel_loop3A_240 = arith.constant 12 : i32
        %parallel_loop3A_241 = arith.addi %parallel_loop3A_239, %parallel_loop3A_240 : i32
        %parallel_loop3A_242 = arith.constant 16 : i32
        %parallel_loop3A_243 = arith.muli %parallel_loop3A_241, %parallel_loop3A_242 : i32
        %parallel_loop3A_244 = arith.index_cast %parallel_loop3A_243 : i32 to index
        %parallel_loop3A_245 = tpu.vector_load %arg6[%parallel_loop3A_244] {strides = array<i32>} : memref<3328xi32, #tpu.memory_space<vmem>>, vector<16xi32>,
        %parallel_loop3A_246 = vector.shape_cast %parallel_loop3A_245 : vector<16xi32> to vector<16xi32>
        %parallel_loop3A_247 = arith.index_cast %parallel_loop3A_243 : i32 to index
        %parallel_loop3A_248 = tpu.vector_load %arg7[%parallel_loop3A_247] {strides = array<i32>} : memref<3328xi32, #tpu.memory_space<vmem>>, vector<16xi32>,
        %parallel_loop3A_249 = vector.shape_cast %parallel_loop3A_248 : vector<16xi32> to vector<16xi32>
        %parallel_loop3A_250 = arith.addi %parallel_loop3A_246, %parallel_loop3A_249 : vector<16xi32>
        %parallel_loop3A_251 = arith.constant 0 : i32
        %parallel_loop3A_252 = tpu.memref_slice %arg8[%parallel_loop3A_243, %parallel_loop3A_251] : memref<3328x32xf32, #tpu.memory_space<vmem>> -> memref<16x32xf32, #tpu.memory_space<vmem>>
        %parallel_loop3A_253 = arith.constant 0 : i32
        %parallel_loop3A_254 = arith.constant 0 : i32
        %parallel_loop3A_255 = tpu.memref_slice %arg4[%parallel_loop3A_253, %parallel_loop3A_254] : memref<2600000x32xf32, #tpu.memory_space<hbm>> -> memref<2600000x32xf32, #tpu.memory_space<hbm>>
        tpu.enqueue_indirect_dma source(%parallel_loop3A_255 : memref<2600000x32xf32, #tpu.memory_space<hbm>>) target(%parallel_loop3A_252 : memref<16x32xf32, #tpu.memory_space<vmem>>) offsets(%parallel_loop3A_250 : vector<16xi32>) semaphore(%arg9 : memref<!tpu.dma_semaphore, #tpu.memory_space<semaphore_mem>>)
      } {sc.loop_unroll_factor = 2 : i64, sc.parallel_access}
      %dma_wait3A = arith.constant 0 : i32
      %dma_wait3A_16 = arith.constant 0 : i32
      %dma_wait3A_17 = tpu.memref_slice %arg4[%dma_wait3A, %dma_wait3A_16] : memref<2600000x32xf32, #tpu.memory_space<hbm>> -> memref<3328x32xf32, #tpu.memory_space<hbm>>
      %dma_wait3A_18 = arith.constant 0 : i32
      %dma_wait3A_19 = arith.constant 0 : i32
      %dma_wait3A_20 = tpu.memref_slice %arg4[%dma_wait3A_18, %dma_wait3A_19] : memref<2600000x32xf32, #tpu.memory_space<hbm>> -> memref<3328x32xf32, #tpu.memory_space<hbm>>
      tpu.wait_dma2 semaphore(%arg9 : memref<!tpu.dma_semaphore, #tpu.memory_space<semaphore_mem>>) src(%dma_wait3A_20 : memref<3328x32xf32, #tpu.memory_space<hbm>>) dst(%arg8 : memref<3328x32xf32, #tpu.memory_space<vmem>>)
      "tpu.region"() ({
        %run_scoped3A = tpu.sem_alloc : memref<!tpu.dma_semaphore, #tpu.memory_space<semaphore_mem>>
        %dma_start3A = arith.constant 0 : i32
        %dma_start3A_21 = tpu.memref_slice %arg5[%mul3A_13, %dma_start3A] : memref<425984x32xf32, #tpu.memory_space<hbm>> -> memref<3328x32xf32, #tpu.memory_space<hbm>>
        %dma_start3A_22 = arith.constant 0 : i32
        %dma_start3A_23 = tpu.memref_slice %arg5[%mul3A_13, %dma_start3A_22] : memref<425984x32xf32, #tpu.memory_space<hbm>> -> memref<3328x32xf32, #tpu.memory_space<hbm>>
        tpu.enqueue_dma source(%arg8 : memref<3328x32xf32, #tpu.memory_space<vmem>>) target(%dma_start3A_23 : memref<3328x32xf32, #tpu.memory_space<hbm>>) target_semaphore(%run_scoped3A : memref<!tpu.dma_semaphore, #tpu.memory_space<semaphore_mem>>)
        %dma_wait3A_24 = arith.constant 0 : i32
        %dma_wait3A_25 = tpu.memref_slice %arg5[%mul3A_13, %dma_wait3A_24] : memref<425984x32xf32, #tpu.memory_space<hbm>> -> memref<3328x32xf32, #tpu.memory_space<hbm>>
        %dma_wait3A_26 = arith.constant 0 : i32
        %dma_wait3A_27 = tpu.memref_slice %arg5[%mul3A_13, %dma_wait3A_26] : memref<425984x32xf32, #tpu.memory_space<hbm>> -> memref<3328x32xf32, #tpu.memory_space<hbm>>
        tpu.wait_dma2 semaphore(%run_scoped3A : memref<!tpu.dma_semaphore, #tpu.memory_space<semaphore_mem>>) src(%arg8 : memref<3328x32xf32, #tpu.memory_space<vmem>>) dst(%dma_wait3A_27 : memref<3328x32xf32, #tpu.memory_space<hbm>>)
        tpu.yield
      }) : () -> ()
    }
    %scan3A_5 = arith.constant 4 : i32
    return
  }
}

module attributes {stable_mosaic.version = 14 : i64} {
  func.func @_assemble(%arg0: i32, %arg1: memref<512x13xf32, #tpu.memory_space<vmem>>, %arg2: memref<13x416xf32, #tpu.memory_space<vmem>>, %arg3: memref<1x1248xf32, #tpu.memory_space<vmem>>, %arg4: memref<512x832xf32, #tpu.memory_space<vmem>>, %arg5: memref<512x1248xf32, #tpu.memory_space<vmem>>) attributes {dimension_semantics = [#tpu.dimension_semantics<arbitrary>], iteration_bounds = array<i64: 32>, scalar_prefetch = 0 : i64, scratch_operands = 0 : i64, tpu.core_type = #tpu.core_type<tc>, window_params = [{transform_indices = @transform_0, window_bounds = array<i64: 512, 13>}, {pipeline_mode = #tpu.pipeline_mode<synchronous>, transform_indices = @transform_1, window_bounds = array<i64: 13, 416>}, {pipeline_mode = #tpu.pipeline_mode<synchronous>, transform_indices = @transform_2, window_bounds = array<i64: 1, 1248>}, {transform_indices = @transform_3, window_bounds = array<i64: 512, 832>}, {transform_indices = @transform_4, window_bounds = array<i64: 512, 1248>}]} {
    %get3A = arith.constant 0 : index
    %get3A_0 = arith.constant 0 : index
    %get3A_1 = vector.load %arg1[%get3A, %get3A_0] : memref<512x13xf32, #tpu.memory_space<vmem>>, vector<512x13xf32>
    %get3A_2 = arith.constant 0 : index
    %get3A_3 = arith.constant 0 : index
    %get3A_4 = vector.load %arg3[%get3A_2, %get3A_3] : memref<1x1248xf32, #tpu.memory_space<vmem>>, vector<1x1248xf32>
    %get3A_5 = arith.constant 0 : index
    %get3A_6 = arith.constant 0 : index
    %get3A_7 = vector.load %arg2[%get3A_5, %get3A_6] : memref<13x416xf32, #tpu.memory_space<vmem>>, vector<13x416xf32>
    %dot_general3A = arith.constant dense<0.000000e+00> : vector<512x416xf32>
    %dot_general3A_8 = tpu.matmul %get3A_1, %get3A_7, %dot_general3A {dimension_numbers = #tpu.dot_dimension_numbers<[1], [0], [0], [1], [0, 0, 1, 1], [], []>, transpose_lhs_hint = false} : vector<512x13xf32>, vector<13x416xf32>, vector<512x416xf32> -> vector<512x416xf32>
    %slice3A = vector.extract_strided_slice %get3A_4 {offsets = [0, 0], sizes = [1, 416], strides = [1, 1]} : vector<1x1248xf32> to vector<1x416xf32>
    %add3A = vector.broadcast %slice3A : vector<1x416xf32> to vector<512x416xf32>
    %add3A_9 = arith.addf %dot_general3A_8, %add3A : vector<512x416xf32>
    %swap3A = arith.constant 0 : index
    %swap3A_10 = arith.constant 0 : index
    %swap3A_11 = vector.load %arg5[%swap3A, %swap3A_10] : memref<512x1248xf32, #tpu.memory_space<vmem>>, vector<512x416xf32>
    tpu.vector_store %arg5[%swap3A, %swap3A_10], %add3A_9 {strides = array<i32>} : memref<512x1248xf32, #tpu.memory_space<vmem>>, vector<512x416xf32>,
    %get3A_12 = arith.constant 0 : index
    %get3A_13 = arith.constant 0 : index
    %get3A_14 = vector.load %arg4[%get3A_12, %get3A_13] : memref<512x832xf32, #tpu.memory_space<vmem>>, vector<512x832xf32>
    %slice3A_15 = vector.extract_strided_slice %get3A_4 {offsets = [0, 416], sizes = [1, 832], strides = [1, 1]} : vector<1x1248xf32> to vector<1x832xf32>
    %add3A_16 = vector.broadcast %slice3A_15 : vector<1x832xf32> to vector<512x832xf32>
    %add3A_17 = arith.addf %get3A_14, %add3A_16 : vector<512x832xf32>
    %swap3A_18 = arith.constant 0 : index
    %swap3A_19 = arith.constant 416 : index
    %swap3A_20 = vector.load %arg5[%swap3A_18, %swap3A_19] : memref<512x1248xf32, #tpu.memory_space<vmem>>, vector<512x832xf32>
    tpu.vector_store %arg5[%swap3A_18, %swap3A_19], %add3A_17 {strides = array<i32>} : memref<512x1248xf32, #tpu.memory_space<vmem>>, vector<512x832xf32>,
    return
  }
  func.func @transform_0(%arg0: i32) -> (i32, i32) {
    %c0_i32 = arith.constant 0 : i32
    %c0_i32_0 = arith.constant 0 : i32
    return %arg0, %c0_i32 : i32, i32
  }
  func.func @transform_1(%arg0: i32) -> (i32, i32) {
    %c0_i32 = arith.constant 0 : i32
    %c0_i32_0 = arith.constant 0 : i32
    %c0_i32_1 = arith.constant 0 : i32
    return %c0_i32, %c0_i32_0 : i32, i32
  }
  func.func @transform_2(%arg0: i32) -> (i32, i32) {
    %c0_i32 = arith.constant 0 : i32
    %c0_i32_0 = arith.constant 0 : i32
    %c0_i32_1 = arith.constant 0 : i32
    return %c0_i32, %c0_i32_0 : i32, i32
  }
  func.func @transform_3(%arg0: i32) -> (i32, i32) {
    %c0_i32 = arith.constant 0 : i32
    %c0_i32_0 = arith.constant 0 : i32
    return %arg0, %c0_i32 : i32, i32
  }
  func.func @transform_4(%arg0: i32) -> (i32, i32) {
    %c0_i32 = arith.constant 0 : i32
    %c0_i32_0 = arith.constant 0 : i32
    return %arg0, %c0_i32 : i32, i32
  }
}

</mosaic_0001>

<sc_bundles>
// kernel: _encoder.4.cloned.1.call-start
scs
__scs_entry_jumppad:
0x0: {  	(pc) =	sbr.rel $0x88, $3  }
0x1: {  	(tag) =	ssettag $0x0;
	lr =	simm.s32 $0x1  }
0x2: {  	[smem:$0x3F9B] =	sst lr;
	_ =	strace $0xD0000000  }
0x3: {  	_ = 	snop  }
0x4: {  	_ = 	snop  }
0x5: {  	_ = 	snop  }
0x6: {  	_ = 	snop  }
0x7: {  	_ = 	snop  }
__scs_overlays_trampoline_lowered:
0x8: {  	[smem:$0x3FAA] =	sst s0  }
0x9: {  	[smem:$0x3FAB] =	sst s1  }
0xa: {  	[smem:$0x3FAC] =	sst s2  }
0xb: {  	[smem:$0x3FAD] =	sst s3  }
0xc: {  	[smem:$0x3FAE] =	sst s4  }
0xd: {  	[smem:$0x3FAF] =	sst s5  }
0xe: {  	[smem:$0x3FB0] =	sst s6  }
0xf: {  	[smem:$0x3FB1] =	sst s7  }
0x10: {  	[smem:$0x3FB2] =	sst s8  }
0x11: {  	[smem:$0x3FB3] =	sst s9;
	s0 =	simm.s32 @!p0 $0x0  }
0x12: {  	s1 =	sld [smem:$0x3F99];
	s0 =	simm.s32 @p0 $0x1  }
0x13: {  	[smem:$0x3FB4] =	sst s0;
	s0 =	simm.s32 @!p1 $0x0  }
0x14: {  	s2 =	sld [smem:$0x3F98];
	s0 =	simm.s32 @p1 $0x1  }
0x15: {  	[smem:$0x3FB5] =	sst s0;
	s0 =	simm.s32 @!p2 $0x0  }
0x16: {  	s3 =	sld [smem:$0x3FDB];
	s0 =	simm.s32 @p2 $0x1  }
0x17: {  	s4 =	simm.s32 $0x1BF5;
	[smem:$0x3FB7] =	sst s0  }
0x18: {  	s0 =	sld [smem:$0x3F9A];
	_ =	swait.ge [sflag:s4], $0x0  }
0x19: {  	s7 =	sld [smem:$0x3F9B]  }
0x1a: {  	s8 =	sadd.s32 $0xFFFFE003, lr  }
0x1b: {  	s9 =	sadd.s32 $0xFFFFFEF7, lr;
	s5 =	simm.s32 $0xFFFFFFFF;
	p2 =	slt.u32 s8, $0xFFFFF086  }
0x1c: {  	p1 =	slt.u32 s9, $0xF7A;
	s5 =	simm.s32 @!p2 $0x0  }
0x1d: {  	s5 =	simm.s32 @p1 $0x1;
	p0 =	seq.s32 s7, s2  }
0x1e: {  	s7 =	smul.u32 @!p0 $0xF7A, s2;
	p2 =	seq.s32 @!p0 s5, $0x0  }
0x1f: {  	s9 =	smul.u32 $0xF7A, s1;
	s8 =	simm.s32 @!p0 $0x1BF5;
	p2 =	por !p2, p0  }
0x20: {  	[sflag:s8] =	ssyncset.s32 @!p0 $0xFFFFF086;
	s6 =	sadd.s32 @!p0 s3, s7;
	s7 =	simm.s32 @!p0 $0x108  }
0x21: {  	s3 =	sadd.s32 s3, s9;
	s6 =	sadd.s32 @!p0 $0x88, s6;
	s7 =	simm.s32 @p2 $0x1082  }
0x22: {  	[simem:s7], [sflag:s8] =	dma.local @!p0 [hbm:s6], $0xF7A  }
0x23: {  	s9 =	sor.u32 $0xD0000000, s2;
	s6 =	simm.s32 $0x108;
	_ =	swait.ge @!p0 [sflag:s8], $0x0  }
0x24: {  	s3 =	sadd.s32 $0x88, s3;
	s6 =	simm.s32 @!p1 $0x1082;
	[sflag:s4] =	ssyncset.s32 $0xFFFFF086  }
0x25: {  	[simem:s6], [sflag:s4] =	dma.local [hbm:s3], $0xF7A  }
0x26: {  	[smem:$0x3F9B] =	sst s1;
	(tag) =	ssettag s2;
	_ =	strace s9  }
0x27: {  	s1 =	sld [smem:$0x3FAB]  }
0x28: {  	s2 =	sld [smem:$0x3FAC]  }
0x29: {  	s4 =	sld [smem:$0x3FAE]  }
0x2a: {  	p0 =	seq.s32 s5, $0x0;
	s5 =	sld [smem:$0x3FAF]  }
0x2b: {  	s6 =	sld [smem:$0x3FB0]  }
0x2c: {  	s7 =	sld [smem:$0x3FB1]  }
0x2d: {  	s3 =	simm.s32 $0x108;
	s8 =	sld [smem:$0x3FB2]  }
0x2e: {  	s3 =	simm.s32 @!p0 $0x1082;
	s9 =	sld [smem:$0x3FB3]  }
0x2f: {  	lr =	sadd.s32 s0, s3;
	s0 =	sld [smem:$0x3FAA]  }
0x30: {  	s3 =	sld [smem:$0x3FAD]  }
0x31: {  	[smem:$0x3FB6] =	sst s10  }
0x32: {  	s10 =	sld [smem:$0x3FB4];
	_ =	sdelay $0x3  }
0x33: {  	p0 =	seq.s32 s10, $0x1;
	s10 =	sld [smem:$0x3FB6];
	_ =	sdelay $0x3  }
0x34: {  	[smem:$0x3FB6] =	sst s10  }
0x35: {  	s10 =	sld [smem:$0x3FB5];
	_ =	sdelay $0x3  }
0x36: {  	p1 =	seq.s32 s10, $0x1;
	s10 =	sld [smem:$0x3FB6];
	_ =	sdelay $0x3  }
0x37: {  	[smem:$0x3FB6] =	sst s10  }
0x38: {  	s10 =	sld [smem:$0x3FB7]  }
0x39: {  	_ = 	snop;
	(pc) =	sbr.ind lr, $3  }
0x3a: {  	_ = 	snop  }
0x3b: {  	_ = 	snop  }
0x3c: {  	p2 =	seq.s32 s10, $0x1;
	s10 =	sld [smem:$0x3FB6]  }
0x3d: {  	_ =	shalt  }
0x3e: {  	_ =	shalt  }
0x3f: {  	_ =	shalt  }
0x40: {  	_ =	shalt  }
0x41: {  	_ =	shalt  }
0x42: {  	_ =	shalt  }
0x43: {  	_ =	shalt  }
0x44: {  	_ =	shalt  }
0x45: {  	_ =	shalt  }
0x46: {  	_ =	shalt  }
0x47: {  	_ =	shalt  }
0x48: {  	_ =	shalt  }
0x49: {  	_ =	shalt  }
0x4a: {  	_ =	shalt  }
0x4b: {  	_ =	shalt  }
0x4c: {  	_ =	shalt  }
0x4d: {  	_ =	shalt  }
0x4e: {  	_ =	shalt  }
0x4f: {  	_ =	shalt  }
0x50: {  	_ =	shalt  }
0x51: {  	_ =	shalt  }
0x52: {  	_ =	shalt  }
0x53: {  	_ =	shalt  }
0x54: {  	_ =	shalt  }
0x55: {  	_ =	shalt  }
0x56: {  	_ =	shalt  }
0x57: {  	_ =	shalt  }
0x58: {  	_ =	shalt  }
0x59: {  	_ =	shalt  }
0x5a: {  	_ =	shalt  }
0x5b: {  	_ =	shalt  }
0x5c: {  	_ =	shalt  }
0x5d: {  	_ =	shalt  }
0x5e: {  	_ =	shalt  }
0x5f: {  	_ =	shalt  }
0x60: {  	_ =	shalt  }
0x61: {  	_ =	shalt  }
0x62: {  	_ =	shalt  }
0x63: {  	_ =	shalt  }
0x64: {  	_ =	shalt  }
0x65: {  	_ =	shalt  }
0x66: {  	_ =	shalt  }
0x67: {  	_ =	shalt  }
0x68: {  	_ =	shalt  }
0x69: {  	_ =	shalt  }
0x6a: {  	_ =	shalt  }
0x6b: {  	_ =	shalt  }
0x6c: {  	_ =	shalt  }
0x6d: {  	_ =	shalt  }
0x6e: {  	_ =	shalt  }
0x6f: {  	_ =	shalt  }
0x70: {  	_ =	shalt  }
0x71: {  	_ =	shalt  }
0x72: {  	_ =	shalt  }
0x73: {  	_ =	shalt  }
0x74: {  	_ =	shalt  }
0x75: {  	_ =	shalt  }
0x76: {  	_ =	shalt  }
0x77: {  	_ =	shalt  }
0x78: {  	_ =	shalt  }
0x79: {  	_ =	shalt  }
0x7a: {  	_ =	shalt  }
0x7b: {  	_ =	shalt  }
0x7c: {  	_ =	shalt  }
0x7d: {  	_ =	shalt  }
0x7e: {  	_ =	shalt  }
0x7f: {  	_ =	shalt  }
0x80: {  	_ =	shalt  }
0x81: {  	_ =	shalt  }
0x82: {  	_ =	shalt  }
0x83: {  	_ =	shalt  }
0x84: {  	_ =	shalt  }
0x85: {  	_ =	shalt  }
0x86: {  	_ =	shalt  }
0x87: {  	_ =	shalt  }
.Lfunc_end0:
.L_simem_size_0:
called_computation_lowered:
.L_overlay_start_0:
0x88: {  	s2 =	sld [smem:$0x3FD9]  }
0x89: {  	s3 =	sld [smem:$0x3FFE];
	_ =	sdelay $0x1  }
0x8a: {  	s1 =	srdreg.scid  }
0x8b: {  	s0 =	sand.u32 $0x1, s1  }
0x8c: {  	s17 =	sshll.u32 s0, $0xA;
	s2 =	sadd.s32 s3, s2  }
0x8d: {  	s2 =	sadd.s32 s2, s17  }
0x8e: {  	[smem:$0x3FC2] =	sst s2  }
0x8f: {  	_ = 	snop  }
0x90: {  	s2 =	sld [smem:$0x3FC8]  }
0x91: {  	s18 =	sld [smem:$0x3FC4];
	(tm) =	ssettm $0x1  }
0x92: {  	s4 =	sld [smem:$0x3FFB];
	_ =	sdelay $0x3  }
0x93: {  	_ =	strace s4  }
0x94: {  	s4 =	sld [smem:$0x3FFC];
	_ =	sdelay $0x3  }
0x95: {  	_ =	strace s4  }
0x96: {  	s4 =	sld [smem:$0x3FFD];
	_ =	sdelay $0x3  }
0x97: {  	_ =	strace s4  }
0x98: {  	_ =	strace $0x8FFFFFFF  }
0x99: {  	s19 =	sld [smem:$0x3FDB];
	_ =	sdelay $0x1  }
0x9a: {  	s5 =	simm.s32 $_scs_section_size  }
0x9b: {  	s6 =	simm.s32 $_size__tile_overlayer_lowered;
	s7 =	simm.s32 $_tile_overlayer_lowered  }
0x9c: {  	s22 =	simm.s32 $0x1BFF;
	s21 =	sshll.u32 s7, $0x1;
	s4 =	sadd.s32 s5, s19  }
0x9d: {  	s8 =	simm.s32 $0x0;
	s20 =	sshll.u32 s6, $0x1;
	s6 =	sadd.s32 s21, s4  }
0x9e: {  	[timem:s8], [sflag:s22] =	dma.local [hbm:s6], s20  }
0x9f: {  	_ =	swait.ge [sflag:s22], s20  }
0xa0: {  	s5 =	ssub.s32 $0x0, s20;
	[sflag:s22] =	ssyncset.done $0x0  }
0xa1: {  	[sflag:s22] =	ssyncadd.s32 s5;
	_ =	sdelay $0x1  }
0xa2: {  	s23 =	simm.s32 $0x1B8B  }
0xa3: {  	_ =	swait.ge [sflag:s23], $0x1  }
0xa4: {  	[sflag:s23] =	ssyncset.done $0x0  }
0xa5: {  	s25 =	simm.s32 $0x1B8E;
	s24 =	sld [smem:$0x3FFE];
	[sflag:s23] =	ssyncadd.s32 $0xFFFFFFFF  }
0xa6: {  	s26 =	simm.s32 $execute0_lowered;
	[smem:$0x3FD2] =	sst s25  }
0xa7: {  	s6 =	sshll.u32 s26, $0x1;
	_ =	strace $0x80000046;
	[dreg:$0x1] =	wrdreg $0xFFFFFFFF  }
0xa8: {  	s28 =	simm.s32 $_size_execute0_lowered;
	s4 =	sadd.s32 s4, s6;
	[dreg:$0x0] =	wrdreg $0x0  }
0xa9: {  	s6 =	sshll.u32 s28, $0x1;
	[dreg:$0x2] =	wrdreg s4  }
0xaa: {  	[dreg:$0x3] =	wrdreg s6  }
0xab: {  	[dreg:$0x4] =	wrdreg $0xC0  }
0xac: {  	_ =	task [dreg:s8], $0x5FFFF  }
0xad: {  	[dreg:$0x1] =	wrdreg $0xFFFFFFFF  }
0xae: {  	[dreg:$0x0] =	wrdreg $0x60  }
0xaf: {  	[dreg:$0x2] =	wrdreg s2  }
0xb0: {  	[dreg:$0x3] =	wrdreg s18  }
0xb1: {  	[dreg:$0x4] =	wrdreg s24  }
0xb2: {  	[dreg:$0x5] =	wrdreg $0x9  }
0xb3: {  	_ =	task.clear_ibuf [dreg:s8], $0x6FFFF;
	_ =	strace $0x90000046  }
0xb4: {  	s29 =	simm.s32 $0x9;
	_ =	strace $0x80000048  }
0xb5: {  	_ =	swait.ge [sflag:s29], $0x1  }
0xb6: {  	[sflag:s29] =	ssyncadd.s32 $0xFFFFFFFF  }
0xb7: {  	_ =	strace $0x90000048  }
0xb8: {  	_ =	sfence  }
0xb9: {  	s30 =	sld [smem:$0x0];
	_ =	sdelay $0x2  }
0xba: {  	s31 =	sshll.u32 s1, $0xD;
	s1 =	sshrl.u32 s1, $0x2  }
0xbb: {  	s3 =	sand.u32 $0x4000, s31;
	s1 =	sadd.s32 s1, s30  }
0xbc: {  	s0 =	sor.u32 s3, s0;
	s1 =	sshll.u32 s1, $0x11  }
0xbd: {  	s0 =	sor.u32 s1, s0  }
0xbe: {  	s0 =	sadd.s32 $0x8F2B, s0  }
0xbf: {  	[sflag:s0] =	ssyncadd.remote.s32 $0x1  }
0xc0: {  	_ =	sfence.sel $0xFFFF  }
0xc1: {  	[dreg:$0x0] =	wrdreg $0xFFFFFFFF;
	(pc) =	sbr.abs _section_cstart, $3  }
0xc2: {  	[dreg:$0x1] =	wrdreg $0xFFFFFFFF  }
0xc3: {  	_ =	task.clear_ibuf [dreg:s8], $0x2FFFF;
	_ =	strace $0x9FFFFFFF  }
0xc4: {  	(tm) =	ssettm $0x7FFFFFFF  }
0xc5: {  	_ =	shalt  }
tec
execute0_lowered:
.L_overlay_start_1:
0x0: {  	(tag) =	ssettag $0x1  }
0x1: {  	s0 =	rddreg [dreg:$0x2];
	s1 =	srdreg.scid  }
0x2: {  	s3 =	simm.s32 $0x0;
	s6 =	stileid.u32;
	s1 =	sand.u32 $0x1, s1  }
0x3: {  	s10 =	simm.s32 $0x2;
	s11 =	simm.s32 $0x1;
	s2 =	ssub.s32 $0x2, s1  }
0x4: {  	[smem:$0x7FF] =	sst s3;
	s5 =	sadd.s32 $0x27ACE00, s0;
	s4 =	sshrl.u32 s2, $0x1  }
0x5: {  	s7 =	sshll.u32 s6, $0xA;
	s6 =	sadd.s32 $0xA00, s0;
	s31 =	ssub.s32 s2, s4  }
0x6: {  	_ =	strace $0x80000047;
	s1 =	sshll.u32 s1, $0x9;
	s0 =	smax.u32 s31, $0x1  }
0x7: {  	vm0 =	vmmov $0xffff;
	s7 =	sor.u32 s1, s7;
	s1 =	simm.s32 $0x0;
	[dreg:$0x4] =	wrdreg s0  }
.LBB2_1:
0x8: {  	[dreg:$0x5] =	wrdreg s1  }
0x9: {  	s0 =	rddreg [dreg:$0x1];
	s31 =	simm.s32 $0xD00  }
0xa: {  	[tilespmem:s31], [sflag:$0x2] =	stream.linear.gather [hbm4b:s0+s3], $0xD00, $0x38;
	[tilespmem:$0x1BA00] =	vst v63  }
0xb: {  	_ =	swait.ge [sflag:s10], $0xD00  }
0xc: {  	[sflag:s10] =	ssyncset.done $0x0  }
0xd: {  	s14 =	simm.s32 $0x0;
	[sflag:s10] =	ssyncadd.s32 $0xFFFFF300  }
.LBB2_2:
0xe: {  	s0 =	sshll.u32 s14, $0x7  }
0xf: {  	s15 =	sadd.s32 s7, s0  }
0x10: {  	s0 =	smul.u32 $0x1A, s15;
	_ =	sdelay $0x1  }
0x11: {  	s1 =	rddreg [dreg:$0x0];
	s0 =	sshrl.u32 s0, $0x3  }
0x12: {  	s0 =	sadd.s32 s1, s0  }
0x13: {  	[tilespmem:s3], [sflag:$0x2] =	stream.linear.gather [hbm4b:s0+s3], $0xD00, $0x38;
	[tilespmem:$0x1BA00] =	vst v63  }
0x14: {  	_ =	swait.ge [sflag:s10], $0xD00  }
0x15: {  	[sflag:s10] =	ssyncset.done $0x0  }
0x16: {  	s29 =	simm.s32 $0xD0;
	[sflag:s10] =	ssyncadd.s32 $0xFFFFF300  }
0x17: {  	s0 =	simm.s32 $0xDD0;
	v0 =	vld [tilespmem:s29+$0xFFFFFF30]  }
0x18: {  	v1 =	vld [tilespmem:s0+$0xFFFFFF30];
	_ =	sdelay $0x4  }
0x19: {  	v0 =	vadd.s32 v0, v1;
	_ =	sdelay $0x3  }
0x1a: {  	s20 =	simm.s32 $0x1A00  }
0x1b: {  	[tilespmem:s20], [sflag:$0x1] =	stream.indirect_vreg.gather [hbm4b:s5+s3], $0x20, v0, vm0, $0xb8;
	[tilespmem:$0x1BA00] =	vst v63  }
0x1c: {  	v0 =	vld [tilespmem:s29+$0xFFFFFF40]  }
0x1d: {  	v1 =	vld [tilespmem:s0+$0xFFFFFF40];
	_ =	sdelay $0x4  }
0x1e: {  	v0 =	vadd.s32 v0, v1;
	_ =	sdelay $0x3  }
0x1f: {  	s21 =	simm.s32 $0x1C00  }
0x20: {  	[tilespmem:s21], [sflag:$0x1] =	stream.indirect_vreg.gather [hbm4b:s5+s3], $0x20, v0, vm0, $0xb8;
	[tilespmem:$0x1BA00] =	vst v63  }
0x21: {  	v0 =	vld [tilespmem:s29+$0xFFFFFF50]  }
0x22: {  	v1 =	vld [tilespmem:s0+$0xFFFFFF50];
	_ =	sdelay $0x4  }
0x23: {  	v0 =	vadd.s32 v0, v1;
	_ =	sdelay $0x3  }
0x24: {  	s22 =	simm.s32 $0x1E00  }
0x25: {  	[tilespmem:s22], [sflag:$0x1] =	stream.indirect_vreg.gather [hbm4b:s5+s3], $0x20, v0, vm0, $0xb8;
	[tilespmem:$0x1BA00] =	vst v63  }
0x26: {  	v0 =	vld [tilespmem:s29+$0xFFFFFF60]  }
0x27: {  	v1 =	vld [tilespmem:s0+$0xFFFFFF60];
	_ =	sdelay $0x4  }
0x28: {  	v0 =	vadd.s32 v0, v1;
	_ =	sdelay $0x3  }
0x29: {  	s23 =	simm.s32 $0x2000  }
0x2a: {  	[tilespmem:s23], [sflag:$0x1] =	stream.indirect_vreg.gather [hbm4b:s5+s3], $0x20, v0, vm0, $0xb8;
	[tilespmem:$0x1BA00] =	vst v63  }
0x2b: {  	v0 =	vld [tilespmem:s29+$0xFFFFFF70]  }
0x2c: {  	v1 =	vld [tilespmem:s0+$0xFFFFFF70];
	_ =	sdelay $0x4  }
0x2d: {  	v0 =	vadd.s32 v0, v1  }
0x2e: {  	s17 =	simm.s32 $0xF70  }
0x2f: {  	s16 =	simm.s32 $0x270;
	v2 =	vld [tilespmem:s17+$0xFFFFFF30]  }
0x30: {  	v1 =	vld [tilespmem:s16+$0xFFFFFF30]  }
0x31: {  	s24 =	simm.s32 $0x2200  }
0x32: {  	[tilespmem:s24], [sflag:$0x1] =	stream.indirect_vreg.gather [hbm4b:s5+s3], $0x20, v0, vm0, $0xb8;
	[tilespmem:$0x1BA00] =	vst v63  }
0x33: {  	v0 =	vld [tilespmem:s29+$0xFFFFFF80]  }
0x34: {  	v3 =	vld [tilespmem:s0+$0xFFFFFF80]  }
0x35: {  	v1 =	vadd.s32 v1, v2;
	_ =	sdelay $0x3  }
0x36: {  	s25 =	simm.s32 $0x4E00;
	v0 =	vadd.s32 v0, v3  }
0x37: {  	[tilespmem:s25], [sflag:$0x1] =	stream.indirect_vreg.gather [hbm4b:s5+s3], $0x20, v1, vm0, $0xb8;
	[tilespmem:$0x1BA00] =	vst v63  }
0x38: {  	v1 =	vld [tilespmem:s16+$0xFFFFFF40]  }
0x39: {  	v2 =	vld [tilespmem:s17+$0xFFFFFF40]  }
0x3a: {  	s26 =	simm.s32 $0x2400  }
0x3b: {  	[tilespmem:s26], [sflag:$0x1] =	stream.indirect_vreg.gather [hbm4b:s5+s3], $0x20, v0, vm0, $0xb8;
	[tilespmem:$0x1BA00] =	vst v63  }
0x3c: {  	v0 =	vld [tilespmem:s29+$0xFFFFFF90]  }
0x3d: {  	v3 =	vld [tilespmem:s0+$0xFFFFFF90]  }
0x3e: {  	v1 =	vadd.s32 v1, v2;
	_ =	sdelay $0x3  }
0x3f: {  	s2 =	simm.s32 $0x5000;
	v0 =	vadd.s32 v0, v3  }
0x40: {  	[tilespmem:s2], [sflag:$0x1] =	stream.indirect_vreg.gather [hbm4b:s5+s3], $0x20, v1, vm0, $0xb8;
	[tilespmem:$0x1BA00] =	vst v63  }
0x41: {  	v1 =	vld [tilespmem:s16+$0xFFFFFF50]  }
0x42: {  	v2 =	vld [tilespmem:s17+$0xFFFFFF50]  }
0x43: {  	s4 =	simm.s32 $0x2600  }
0x44: {  	[tilespmem:s4], [sflag:$0x1] =	stream.indirect_vreg.gather [hbm4b:s5+s3], $0x20, v0, vm0, $0xb8;
	[tilespmem:$0x1BA00] =	vst v63  }
0x45: {  	v0 =	vld [tilespmem:s29+$0xFFFFFFA0]  }
0x46: {  	v3 =	vld [tilespmem:s0+$0xFFFFFFA0]  }
0x47: {  	v1 =	vadd.s32 v1, v2;
	_ =	sdelay $0x3  }
0x48: {  	s8 =	simm.s32 $0x5200;
	v0 =	vadd.s32 v0, v3  }
0x49: {  	[tilespmem:s8], [sflag:$0x1] =	stream.indirect_vreg.gather [hbm4b:s5+s3], $0x20, v1, vm0, $0xb8;
	[tilespmem:$0x1BA00] =	vst v63  }
0x4a: {  	v1 =	vld [tilespmem:s16+$0xFFFFFF60]  }
0x4b: {  	v2 =	vld [tilespmem:s17+$0xFFFFFF60]  }
0x4c: {  	s9 =	simm.s32 $0x2800  }
0x4d: {  	[tilespmem:s9], [sflag:$0x1] =	stream.indirect_vreg.gather [hbm4b:s5+s3], $0x20, v0, vm0, $0xb8;
	[tilespmem:$0x1BA00] =	vst v63  }
0x4e: {  	v0 =	vld [tilespmem:s29+$0xFFFFFFB0]  }
0x4f: {  	v3 =	vld [tilespmem:s0+$0xFFFFFFB0]  }
0x50: {  	v1 =	vadd.s32 v1, v2;
	_ =	sdelay $0x3  }
0x51: {  	s12 =	simm.s32 $0x5400;
	v0 =	vadd.s32 v0, v3  }
0x52: {  	[tilespmem:s12], [sflag:$0x1] =	stream.indirect_vreg.gather [hbm4b:s5+s3], $0x20, v1, vm0, $0xb8;
	[tilespmem:$0x1BA00] =	vst v63  }
0x53: {  	v1 =	vld [tilespmem:s16+$0xFFFFFF70]  }
0x54: {  	s19 =	simm.s32 $0x1110;
	v2 =	vld [tilespmem:s17+$0xFFFFFF70]  }
0x55: {  	s18 =	simm.s32 $0x410;
	s13 =	simm.s32 $0x2A00;
	v4 =	vld [tilespmem:s19+$0xFFFFFF30]  }
0x56: {  	v3 =	vld [tilespmem:s18+$0xFFFFFF30];
	[tilespmem:s13], [sflag:$0x1] =	stream.indirect_vreg.gather [hbm4b:s5+s3], $0x20, v0, vm0, $0xb8  }
0x57: {  	v0 =	vld [tilespmem:s29+$0xFFFFFFC0]  }
0x58: {  	v5 =	vld [tilespmem:s0+$0xFFFFFFC0]  }
0x59: {  	v1 =	vadd.s32 v1, v2;
	_ =	sdelay $0x1  }
0x5a: {  	v2 =	vadd.s32 v3, v4;
	_ =	sdelay $0x1  }
0x5b: {  	s20 =	simm.s32 $0x5600;
	v0 =	vadd.s32 v0, v5  }
0x5c: {  	[tilespmem:s20], [sflag:$0x1] =	stream.indirect_vreg.gather [hbm4b:s5+s3], $0x20, v1, vm0, $0xb8;
	[tilespmem:$0x1BA00] =	vst v63  }
0x5d: {  	s21 =	simm.s32 $0x8200;
	v1 =	vld [tilespmem:s16+$0xFFFFFF80]  }
0x5e: {  	[tilespmem:s21], [sflag:$0x1] =	stream.indirect_vreg.gather [hbm4b:s5+s3], $0x20, v2, vm0, $0xb8;
	v2 =	vld [tilespmem:s17+$0xFFFFFF80]  }
0x5f: {  	s22 =	simm.s32 $0x2C00;
	v3 =	vld [tilespmem:s18+$0xFFFFFF40]  }
0x60: {  	v4 =	vld [tilespmem:s19+$0xFFFFFF40];
	[tilespmem:s22], [sflag:$0x1] =	stream.indirect_vreg.gather [hbm4b:s5+s3], $0x20, v0, vm0, $0xb8  }
0x61: {  	v0 =	vld [tilespmem:s29+$0xFFFFFFD0]  }
0x62: {  	v5 =	vld [tilespmem:s0+$0xFFFFFFD0]  }
0x63: {  	v1 =	vadd.s32 v1, v2;
	_ =	sdelay $0x1  }
0x64: {  	v2 =	vadd.s32 v3, v4;
	_ =	sdelay $0x1  }
0x65: {  	s23 =	simm.s32 $0x5800;
	v0 =	vadd.s32 v0, v5  }
0x66: {  	[tilespmem:s23], [sflag:$0x1] =	stream.indirect_vreg.gather [hbm4b:s5+s3], $0x20, v1, vm0, $0xb8;
	[tilespmem:$0x1BA00] =	vst v63  }
0x67: {  	s24 =	simm.s32 $0x8400;
	v1 =	vld [tilespmem:s16+$0xFFFFFF90]  }
0x68: {  	[tilespmem:s24], [sflag:$0x1] =	stream.indirect_vreg.gather [hbm4b:s5+s3], $0x20, v2, vm0, $0xb8;
	v2 =	vld [tilespmem:s17+$0xFFFFFF90]  }
0x69: {  	s25 =	simm.s32 $0x2E00;
	v3 =	vld [tilespmem:s18+$0xFFFFFF50]  }
0x6a: {  	v4 =	vld [tilespmem:s19+$0xFFFFFF50];
	[tilespmem:s25], [sflag:$0x1] =	stream.indirect_vreg.gather [hbm4b:s5+s3], $0x20, v0, vm0, $0xb8  }
0x6b: {  	v0 =	vld [tilespmem:s29+$0xFFFFFFE0]  }
0x6c: {  	v5 =	vld [tilespmem:s0+$0xFFFFFFE0]  }
0x6d: {  	v1 =	vadd.s32 v1, v2;
	_ =	sdelay $0x1  }
0x6e: {  	v2 =	vadd.s32 v3, v4;
	_ =	sdelay $0x1  }
0x6f: {  	s26 =	simm.s32 $0x5A00;
	v0 =	vadd.s32 v0, v5  }
0x70: {  	[tilespmem:s26], [sflag:$0x1] =	stream.indirect_vreg.gather [hbm4b:s5+s3], $0x20, v1, vm0, $0xb8;
	[tilespmem:$0x1BA00] =	vst v63  }
0x71: {  	s2 =	simm.s32 $0x8600;
	v1 =	vld [tilespmem:s16+$0xFFFFFFA0]  }
0x72: {  	[tilespmem:s2], [sflag:$0x1] =	stream.indirect_vreg.gather [hbm4b:s5+s3], $0x20, v2, vm0, $0xb8;
	v2 =	vld [tilespmem:s17+$0xFFFFFFA0]  }
0x73: {  	s4 =	simm.s32 $0x3000;
	v3 =	vld [tilespmem:s18+$0xFFFFFF60]  }
0x74: {  	v4 =	vld [tilespmem:s19+$0xFFFFFF60];
	[tilespmem:s4], [sflag:$0x1] =	stream.indirect_vreg.gather [hbm4b:s5+s3], $0x20, v0, vm0, $0xb8  }
0x75: {  	v0 =	vld [tilespmem:s29+$0xFFFFFFF0]  }
0x76: {  	v5 =	vld [tilespmem:s0+$0xFFFFFFF0]  }
0x77: {  	v1 =	vadd.s32 v1, v2;
	_ =	sdelay $0x1  }
0x78: {  	v2 =	vadd.s32 v3, v4;
	_ =	sdelay $0x1  }
0x79: {  	s8 =	simm.s32 $0x5C00;
	v0 =	vadd.s32 v0, v5  }
0x7a: {  	[tilespmem:s8], [sflag:$0x1] =	stream.indirect_vreg.gather [hbm4b:s5+s3], $0x20, v1, vm0, $0xb8;
	[tilespmem:$0x1BA00] =	vst v63  }
0x7b: {  	s9 =	simm.s32 $0x8800;
	v1 =	vld [tilespmem:s16+$0xFFFFFFB0]  }
0x7c: {  	[tilespmem:s9], [sflag:$0x1] =	stream.indirect_vreg.gather [hbm4b:s5+s3], $0x20, v2, vm0, $0xb8;
	v2 =	vld [tilespmem:s17+$0xFFFFFFB0]  }
0x7d: {  	s12 =	simm.s32 $0x3200;
	v3 =	vld [tilespmem:s18+$0xFFFFFF70]  }
0x7e: {  	v4 =	vld [tilespmem:s19+$0xFFFFFF70];
	[tilespmem:s12], [sflag:$0x1] =	stream.indirect_vreg.gather [hbm4b:s5+s3], $0x20, v0, vm0, $0xb8  }
0x7f: {  	v0 =	vld [tilespmem:s29+$0x0]  }
0x80: {  	s22 =	simm.s32 $0x5B0;
	v5 =	vld [tilespmem:s0+$0x0]  }
0x81: {  	s20 =	simm.s32 $0x12B0;
	v6 =	vld [tilespmem:s22+$0xFFFFFF30];
	v1 =	vadd.s32 v1, v2  }
0x82: {  	v2 =	vld [tilespmem:s20+$0xFFFFFF30]  }
0x83: {  	v3 =	vadd.s32 v3, v4;
	_ =	sdelay $0x1  }
0x84: {  	s13 =	simm.s32 $0x5E00;
	v0 =	vadd.s32 v0, v5  }
0x85: {  	[tilespmem:s13], [sflag:$0x1] =	stream.indirect_vreg.gather [hbm4b:s5+s3], $0x20, v1, vm0, $0xb8;
	[tilespmem:$0x1BA00] =	vst v63  }
0x86: {  	s21 =	simm.s32 $0x8A00;
	v1 =	vadd.s32 v6, v2;
	v2 =	vld [tilespmem:s16+$0xFFFFFFC0]  }
0x87: {  	[tilespmem:s21], [sflag:$0x1] =	stream.indirect_vreg.gather [hbm4b:s5+s3], $0x20, v3, vm0, $0xb8;
	v3 =	vld [tilespmem:s17+$0xFFFFFFC0]  }
0x88: {  	s21 =	simm.s32 $0x3400;
	v4 =	vld [tilespmem:s18+$0xFFFFFF80]  }
0x89: {  	v5 =	vld [tilespmem:s19+$0xFFFFFF80];
	[tilespmem:s21], [sflag:$0x1] =	stream.indirect_vreg.gather [hbm4b:s5+s3], $0x20, v0, vm0, $0xb8  }
0x8a: {  	s23 =	simm.s32 $0xB600;
	v0 =	vld [tilespmem:s29+$0x10]  }
0x8b: {  	[tilespmem:s23], [sflag:$0x1] =	stream.indirect_vreg.gather [hbm4b:s5+s3], $0x20, v1, vm0, $0xb8;
	v1 =	vld [tilespmem:s0+$0x10]  }
0x8c: {  	v6 =	vld [tilespmem:s22+$0xFFFFFF40];
	v2 =	vadd.s32 v2, v3  }
0x8d: {  	v3 =	vld [tilespmem:s20+$0xFFFFFF40]  }
0x8e: {  	v4 =	vadd.s32 v4, v5;
	_ =	sdelay $0x1  }
0x8f: {  	s24 =	simm.s32 $0x6000;
	v0 =	vadd.s32 v0, v1  }
0x90: {  	[tilespmem:s24], [sflag:$0x1] =	stream.indirect_vreg.gather [hbm4b:s5+s3], $0x20, v2, vm0, $0xb8;
	[tilespmem:$0x1BA00] =	vst v63  }
0x91: {  	s25 =	simm.s32 $0x8C00;
	v1 =	vadd.s32 v6, v3;
	v2 =	vld [tilespmem:s16+$0xFFFFFFD0]  }
0x92: {  	[tilespmem:s25], [sflag:$0x1] =	stream.indirect_vreg.gather [hbm4b:s5+s3], $0x20, v4, vm0, $0xb8;
	v3 =	vld [tilespmem:s17+$0xFFFFFFD0]  }
0x93: {  	s26 =	simm.s32 $0x3600;
	v4 =	vld [tilespmem:s18+$0xFFFFFF90]  }
0x94: {  	v5 =	vld [tilespmem:s19+$0xFFFFFF90];
	[tilespmem:s26], [sflag:$0x1] =	stream.indirect_vreg.gather [hbm4b:s5+s3], $0x20, v0, vm0, $0xb8  }
0x95: {  	s2 =	simm.s32 $0xB800;
	v0 =	vld [tilespmem:s29+$0x20]  }
0x96: {  	[tilespmem:s2], [sflag:$0x1] =	stream.indirect_vreg.gather [hbm4b:s5+s3], $0x20, v1, vm0, $0xb8;
	v1 =	vld [tilespmem:s0+$0x20]  }
0x97: {  	v2 =	vadd.s32 v2, v3;
	v6 =	vld [tilespmem:s22+$0xFFFFFF50]  }
0x98: {  	v3 =	vld [tilespmem:s20+$0xFFFFFF50]  }
0x99: {  	v4 =	vadd.s32 v4, v5;
	_ =	sdelay $0x1  }
0x9a: {  	s4 =	simm.s32 $0x6200;
	v0 =	vadd.s32 v0, v1  }
0x9b: {  	[tilespmem:s4], [sflag:$0x1] =	stream.indirect_vreg.gather [hbm4b:s5+s3], $0x20, v2, vm0, $0xb8;
	[tilespmem:$0x1BA00] =	vst v63  }
0x9c: {  	s8 =	simm.s32 $0x8E00;
	v1 =	vadd.s32 v6, v3;
	v2 =	vld [tilespmem:s16+$0xFFFFFFE0]  }
0x9d: {  	[tilespmem:s8], [sflag:$0x1] =	stream.indirect_vreg.gather [hbm4b:s5+s3], $0x20, v4, vm0, $0xb8;
	v3 =	vld [tilespmem:s17+$0xFFFFFFE0]  }
0x9e: {  	s9 =	simm.s32 $0x3800;
	v4 =	vld [tilespmem:s18+$0xFFFFFFA0]  }
0x9f: {  	[tilespmem:s9], [sflag:$0x1] =	stream.indirect_vreg.gather [hbm4b:s5+s3], $0x20, v0, vm0, $0xb8;
	v0 =	vld [tilespmem:s19+$0xFFFFFFA0]  }
0xa0: {  	s12 =	simm.s32 $0xBA00;
	v5 =	vld [tilespmem:s29+$0x30]  }
0xa1: {  	[tilespmem:s12], [sflag:$0x1] =	stream.indirect_vreg.gather [hbm4b:s5+s3], $0x20, v1, vm0, $0xb8;
	v1 =	vld [tilespmem:s0+$0x30]  }
0xa2: {  	v2 =	vadd.s32 v2, v3;
	v6 =	vld [tilespmem:s22+$0xFFFFFF60]  }
0xa3: {  	v3 =	vld [tilespmem:s20+$0xFFFFFF60]  }
0xa4: {  	v0 =	vadd.s32 v4, v0;
	_ =	sdelay $0x1  }
0xa5: {  	s13 =	simm.s32 $0x6400;
	v1 =	vadd.s32 v5, v1  }
0xa6: {  	[tilespmem:s13], [sflag:$0x1] =	stream.indirect_vreg.gather [hbm4b:s5+s3], $0x20, v2, vm0, $0xb8;
	[tilespmem:$0x1BA00] =	vst v63  }
0xa7: {  	s23 =	simm.s32 $0x9000;
	v2 =	vadd.s32 v6, v3;
	v3 =	vld [tilespmem:s16+$0xFFFFFFF0]  }
0xa8: {  	v4 =	vld [tilespmem:s17+$0xFFFFFFF0];
	[tilespmem:s23], [sflag:$0x1] =	stream.indirect_vreg.gather [hbm4b:s5+s3], $0x20, v0, vm0, $0xb8  }
0xa9: {  	s24 =	simm.s32 $0x3A00;
	v0 =	vld [tilespmem:s18+$0xFFFFFFB0]  }
0xaa: {  	v5 =	vld [tilespmem:s19+$0xFFFFFFB0];
	[tilespmem:s24], [sflag:$0x1] =	stream.indirect_vreg.gather [hbm4b:s5+s3], $0x20, v1, vm0, $0xb8  }
0xab: {  	s25 =	simm.s32 $0xBC00;
	v1 =	vld [tilespmem:s29+$0x40]  }
0xac: {  	[tilespmem:s25], [sflag:$0x1] =	stream.indirect_vreg.gather [hbm4b:s5+s3], $0x20, v2, vm0, $0xb8;
	v2 =	vld [tilespmem:s0+$0x40]  }
0xad: {  	v3 =	vadd.s32 v3, v4;
	v4 =	vld [tilespmem:s22+$0xFFFFFF70]  }
0xae: {  	v6 =	vld [tilespmem:s20+$0xFFFFFF70]  }
0xaf: {  	v0 =	vadd.s32 v0, v5  }
0xb0: {  	s23 =	simm.s32 $0x750  }
0xb1: {  	s26 =	simm.s32 $0x6600;
	s24 =	simm.s32 $0x1450;
	v5 =	vld [tilespmem:s23+$0xFFFFFF30];
	v1 =	vadd.s32 v1, v2  }
0xb2: {  	[tilespmem:s26], [sflag:$0x1] =	stream.indirect_vreg.gather [hbm4b:s5+s3], $0x20, v3, vm0, $0xb8;
	v2 =	vld [tilespmem:s24+$0xFFFFFF30]  }
0xb3: {  	s2 =	simm.s32 $0x9200;
	v3 =	vld [tilespmem:s16+$0x0];
	v4 =	vadd.s32 v4, v6  }
0xb4: {  	v6 =	vld [tilespmem:s17+$0x0];
	[tilespmem:s2], [sflag:$0x1] =	stream.indirect_vreg.gather [hbm4b:s5+s3], $0x20, v0, vm0, $0xb8  }
0xb5: {  	s4 =	simm.s32 $0x3C00;
	v0 =	vld [tilespmem:s18+$0xFFFFFFC0]  }
0xb6: {  	v7 =	vld [tilespmem:s19+$0xFFFFFFC0];
	[tilespmem:s4], [sflag:$0x1] =	stream.indirect_vreg.gather [hbm4b:s5+s3], $0x20, v1, vm0, $0xb8  }
0xb7: {  	s8 =	simm.s32 $0xBE00;
	v1 =	vadd.s32 v5, v2;
	v2 =	vld [tilespmem:s29+$0x50]  }
0xb8: {  	[tilespmem:s8], [sflag:$0x1] =	stream.indirect_vreg.gather [hbm4b:s5+s3], $0x20, v4, vm0, $0xb8;
	v4 =	vld [tilespmem:s0+$0x50]  }
0xb9: {  	v3 =	vadd.s32 v3, v6;
	v5 =	vld [tilespmem:s22+$0xFFFFFF80]  }
0xba: {  	v6 =	vld [tilespmem:s20+$0xFFFFFF80]  }
0xbb: {  	s9 =	simm.s32 $0xEA00;
	v0 =	vadd.s32 v0, v7  }
0xbc: {  	[tilespmem:s9], [sflag:$0x1] =	stream.indirect_vreg.gather [hbm4b:s5+s3], $0x20, v1, vm0, $0xb8;
	[tilespmem:$0x1BA00] =	vst v63  }
0xbd: {  	s25 =	simm.s32 $0x6800;
	v1 =	vld [tilespmem:s23+$0xFFFFFF40];
	v2 =	vadd.s32 v2, v4  }
0xbe: {  	[tilespmem:s25], [sflag:$0x1] =	stream.indirect_vreg.gather [hbm4b:s5+s3], $0x20, v3, vm0, $0xb8;
	v4 =	vld [tilespmem:s24+$0xFFFFFF40]  }
0xbf: {  	s12 =	simm.s32 $0x9400;
	v3 =	vld [tilespmem:s16+$0x10];
	v5 =	vadd.s32 v5, v6  }
0xc0: {  	v6 =	vld [tilespmem:s17+$0x10];
	[tilespmem:s12], [sflag:$0x1] =	stream.indirect_vreg.gather [hbm4b:s5+s3], $0x20, v0, vm0, $0xb8  }
0xc1: {  	s13 =	simm.s32 $0x3E00;
	v0 =	vld [tilespmem:s18+$0xFFFFFFD0]  }
0xc2: {  	v7 =	vld [tilespmem:s19+$0xFFFFFFD0];
	[tilespmem:s13], [sflag:$0x1] =	stream.indirect_vreg.gather [hbm4b:s5+s3], $0x20, v2, vm0, $0xb8  }
0xc3: {  	s26 =	simm.s32 $0xC000;
	v1 =	vadd.s32 v1, v4;
	v2 =	vld [tilespmem:s29+$0x60]  }
0xc4: {  	[tilespmem:s26], [sflag:$0x1] =	stream.indirect_vreg.gather [hbm4b:s5+s3], $0x20, v5, vm0, $0xb8;
	v4 =	vld [tilespmem:s0+$0x60]  }
0xc5: {  	v3 =	vadd.s32 v3, v6;
	v5 =	vld [tilespmem:s22+$0xFFFFFF90]  }
0xc6: {  	v6 =	vld [tilespmem:s20+$0xFFFFFF90]  }
0xc7: {  	s2 =	simm.s32 $0xEC00;
	v0 =	vadd.s32 v0, v7  }
0xc8: {  	[tilespmem:s2], [sflag:$0x1] =	stream.indirect_vreg.gather [hbm4b:s5+s3], $0x20, v1, vm0, $0xb8;
	[tilespmem:$0x1BA00] =	vst v63  }
0xc9: {  	s4 =	simm.s32 $0x6A00;
	v1 =	vld [tilespmem:s23+$0xFFFFFF50];
	v2 =	vadd.s32 v2, v4  }
0xca: {  	[tilespmem:s4], [sflag:$0x1] =	stream.indirect_vreg.gather [hbm4b:s5+s3], $0x20, v3, vm0, $0xb8;
	v4 =	vld [tilespmem:s24+$0xFFFFFF50]  }
0xcb: {  	s8 =	simm.s32 $0x9600;
	v3 =	vld [tilespmem:s16+$0x20];
	v5 =	vadd.s32 v5, v6  }
0xcc: {  	v6 =	vld [tilespmem:s17+$0x20];
	[tilespmem:s8], [sflag:$0x1] =	stream.indirect_vreg.gather [hbm4b:s5+s3], $0x20, v0, vm0, $0xb8  }
0xcd: {  	s9 =	simm.s32 $0x4000;
	v0 =	vld [tilespmem:s18+$0xFFFFFFE0]  }
0xce: {  	v7 =	vld [tilespmem:s19+$0xFFFFFFE0];
	[tilespmem:s9], [sflag:$0x1] =	stream.indirect_vreg.gather [hbm4b:s5+s3], $0x20, v2, vm0, $0xb8  }
0xcf: {  	s12 =	simm.s32 $0xC200;
	v1 =	vadd.s32 v1, v4;
	v2 =	vld [tilespmem:s29+$0x70]  }
0xd0: {  	[tilespmem:s12], [sflag:$0x1] =	stream.indirect_vreg.gather [hbm4b:s5+s3], $0x20, v5, vm0, $0xb8;
	v4 =	vld [tilespmem:s0+$0x70]  }
0xd1: {  	v3 =	vadd.s32 v3, v6;
	v5 =	vld [tilespmem:s22+$0xFFFFFFA0]  }
0xd2: {  	v6 =	vld [tilespmem:s20+$0xFFFFFFA0]  }
0xd3: {  	s13 =	simm.s32 $0xEE00;
	v0 =	vadd.s32 v0, v7  }
0xd4: {  	[tilespmem:s13], [sflag:$0x1] =	stream.indirect_vreg.gather [hbm4b:s5+s3], $0x20, v1, vm0, $0xb8;
	[tilespmem:$0x1BA00] =	vst v63  }
0xd5: {  	s26 =	simm.s32 $0x6C00;
	v1 =	vld [tilespmem:s23+$0xFFFFFF60];
	v2 =	vadd.s32 v2, v4  }
0xd6: {  	[tilespmem:s26], [sflag:$0x1] =	stream.indirect_vreg.gather [hbm4b:s5+s3], $0x20, v3, vm0, $0xb8;
	v4 =	vld [tilespmem:s24+$0xFFFFFF60]  }
0xd7: {  	s2 =	simm.s32 $0x9800;
	v3 =	vld [tilespmem:s16+$0x30];
	v5 =	vadd.s32 v5, v6  }
0xd8: {  	v6 =	vld [tilespmem:s17+$0x30];
	[tilespmem:s2], [sflag:$0x1] =	stream.indirect_vreg.gather [hbm4b:s5+s3], $0x20, v0, vm0, $0xb8  }
0xd9: {  	s4 =	simm.s32 $0x4200;
	v0 =	vld [tilespmem:s18+$0xFFFFFFF0]  }
0xda: {  	v7 =	vld [tilespmem:s19+$0xFFFFFFF0];
	[tilespmem:s4], [sflag:$0x1] =	stream.indirect_vreg.gather [hbm4b:s5+s3], $0x20, v2, vm0, $0xb8  }
0xdb: {  	s8 =	simm.s32 $0xC400;
	v1 =	vadd.s32 v1, v4;
	v2 =	vld [tilespmem:s29+$0x80]  }
0xdc: {  	[tilespmem:s8], [sflag:$0x1] =	stream.indirect_vreg.gather [hbm4b:s5+s3], $0x20, v5, vm0, $0xb8;
	v4 =	vld [tilespmem:s0+$0x80]  }
0xdd: {  	v3 =	vadd.s32 v3, v6;
	v5 =	vld [tilespmem:s22+$0xFFFFFFB0]  }
0xde: {  	s26 =	simm.s32 $0x8F0;
	v6 =	vld [tilespmem:s20+$0xFFFFFFB0]  }
0xdf: {  	s9 =	simm.s32 $0xF000;
	v8 =	vld [tilespmem:s26+$0xFFFFFF30];
	s4 =	simm.s32 $0x15F0;
	v0 =	vadd.s32 v0, v7  }
0xe0: {  	[tilespmem:s9], [sflag:$0x1] =	stream.indirect_vreg.gather [hbm4b:s5+s3], $0x20, v1, vm0, $0xb8;
	v1 =	vld [tilespmem:s4+$0xFFFFFF30]  }
0xe1: {  	s12 =	simm.s32 $0x6E00;
	v7 =	vld [tilespmem:s23+$0xFFFFFF70];
	v2 =	vadd.s32 v2, v4  }
0xe2: {  	[tilespmem:s12], [sflag:$0x1] =	stream.indirect_vreg.gather [hbm4b:s5+s3], $0x20, v3, vm0, $0xb8;
	v3 =	vld [tilespmem:s24+$0xFFFFFF70]  }
0xe3: {  	s13 =	simm.s32 $0x9A00;
	v4 =	vld [tilespmem:s16+$0x40];
	v5 =	vadd.s32 v5, v6  }
0xe4: {  	[tilespmem:s13], [sflag:$0x1] =	stream.indirect_vreg.gather [hbm4b:s5+s3], $0x20, v0, vm0, $0xb8;
	v0 =	vld [tilespmem:s17+$0x40]  }
0xe5: {  	s2 =	simm.s32 $0x4400;
	v1 =	vadd.s32 v8, v1;
	v6 =	vld [tilespmem:s18+$0x0]  }
0xe6: {  	v8 =	vld [tilespmem:s19+$0x0];
	[tilespmem:s2], [sflag:$0x1] =	stream.indirect_vreg.gather [hbm4b:s5+s3], $0x20, v2, vm0, $0xb8  }
0xe7: {  	s8 =	simm.s32 $0xC600;
	v2 =	vadd.s32 v7, v3;
	v3 =	vld [tilespmem:s29+$0x90]  }
0xe8: {  	[tilespmem:s8], [sflag:$0x1] =	stream.indirect_vreg.gather [hbm4b:s5+s3], $0x20, v5, vm0, $0xb8;
	v5 =	vld [tilespmem:s0+$0x90]  }
0xe9: {  	s9 =	simm.s32 $0x11E00;
	v0 =	vadd.s32 v4, v0;
	v4 =	vld [tilespmem:s22+$0xFFFFFFC0]  }
0xea: {  	[tilespmem:s9], [sflag:$0x1] =	stream.indirect_vreg.gather [hbm4b:s5+s3], $0x20, v1, vm0, $0xb8;
	v1 =	vld [tilespmem:s20+$0xFFFFFFC0]  }
0xeb: {  	s12 =	simm.s32 $0xF200;
	v7 =	vld [tilespmem:s26+$0xFFFFFF40];
	v6 =	vadd.s32 v6, v8  }
0xec: {  	v8 =	vld [tilespmem:s4+$0xFFFFFF40];
	[tilespmem:s12], [sflag:$0x1] =	stream.indirect_vreg.gather [hbm4b:s5+s3], $0x20, v2, vm0, $0xb8  }
0xed: {  	s13 =	simm.s32 $0x7000;
	v2 =	vld [tilespmem:s23+$0xFFFFFF80];
	v3 =	vadd.s32 v3, v5  }
0xee: {  	v5 =	vld [tilespmem:s24+$0xFFFFFF80];
	[tilespmem:s13], [sflag:$0x1] =	stream.indirect_vreg.gather [hbm4b:s5+s3], $0x20, v0, vm0, $0xb8  }
0xef: {  	s28 =	simm.s32 $0x9C00;
	v1 =	vadd.s32 v4, v1;
	v0 =	vld [tilespmem:s16+$0x50]  }
0xf0: {  	[tilespmem:s28], [sflag:$0x1] =	stream.indirect_vreg.gather [hbm4b:s5+s3], $0x20, v6, vm0, $0xb8;
	v4 =	vld [tilespmem:s17+$0x50]  }
0xf1: {  	s2 =	simm.s32 $0x4600;
	v6 =	vadd.s32 v7, v8;
	v7 =	vld [tilespmem:s18+$0x10]  }
0xf2: {  	v8 =	vld [tilespmem:s19+$0x10];
	[tilespmem:s2], [sflag:$0x1] =	stream.indirect_vreg.gather [hbm4b:s5+s3], $0x20, v3, vm0, $0xb8  }
0xf3: {  	s8 =	simm.s32 $0xC800;
	v2 =	vadd.s32 v2, v5;
	v3 =	vld [tilespmem:s29+$0xA0]  }
0xf4: {  	[tilespmem:s8], [sflag:$0x1] =	stream.indirect_vreg.gather [hbm4b:s5+s3], $0x20, v1, vm0, $0xb8;
	v1 =	vld [tilespmem:s0+$0xA0]  }
0xf5: {  	s9 =	simm.s32 $0x12000;
	v0 =	vadd.s32 v0, v4;
	v4 =	vld [tilespmem:s22+$0xFFFFFFD0]  }
0xf6: {  	[tilespmem:s9], [sflag:$0x1] =	stream.indirect_vreg.gather [hbm4b:s5+s3], $0x20, v6, vm0, $0xb8;
	v5 =	vld [tilespmem:s20+$0xFFFFFFD0]  }
0xf7: {  	s12 =	simm.s32 $0xF400;
	v6 =	vld [tilespmem:s26+$0xFFFFFF50];
	v7 =	vadd.s32 v7, v8  }
0xf8: {  	v8 =	vld [tilespmem:s4+$0xFFFFFF50];
	[tilespmem:s12], [sflag:$0x1] =	stream.indirect_vreg.gather [hbm4b:s5+s3], $0x20, v2, vm0, $0xb8  }
0xf9: {  	s13 =	simm.s32 $0x7200;
	v2 =	vld [tilespmem:s23+$0xFFFFFF90];
	v1 =	vadd.s32 v3, v1  }
0xfa: {  	v3 =	vld [tilespmem:s24+$0xFFFFFF90];
	[tilespmem:s13], [sflag:$0x1] =	stream.indirect_vreg.gather [hbm4b:s5+s3], $0x20, v0, vm0, $0xb8  }
0xfb: {  	s2 =	simm.s32 $0x9E00;
	v4 =	vadd.s32 v4, v5;
	v0 =	vld [tilespmem:s16+$0x60]  }
0xfc: {  	[tilespmem:s2], [sflag:$0x1] =	stream.indirect_vreg.gather [hbm4b:s5+s3], $0x20, v7, vm0, $0xb8;
	v5 =	vld [tilespmem:s17+$0x60]  }
0xfd: {  	s8 =	simm.s32 $0x4800;
	v6 =	vadd.s32 v6, v8;
	v7 =	vld [tilespmem:s18+$0x20]  }
0xfe: {  	v8 =	vld [tilespmem:s19+$0x20];
	[tilespmem:s8], [sflag:$0x1] =	stream.indirect_vreg.gather [hbm4b:s5+s3], $0x20, v1, vm0, $0xb8  }
0xff: {  	s9 =	simm.s32 $0xCA00;
	v1 =	vadd.s32 v2, v3  }
0x100: {  	v2 =	vld [tilespmem:s29+$0xB0];
	[tilespmem:s9], [sflag:$0x1] =	stream.indirect_vreg.gather [hbm4b:s5+s3], $0x20, v4, vm0, $0xb8  }
0x101: {  	s12 =	simm.s32 $0x12200;
	v3 =	vld [tilespmem:s0+$0xB0];
	v0 =	vadd.s32 v0, v5  }
0x102: {  	v4 =	vld [tilespmem:s22+$0xFFFFFFE0];
	[tilespmem:s12], [sflag:$0x1] =	stream.indirect_vreg.gather [hbm4b:s5+s3], $0x20, v6, vm0, $0xb8  }
0x103: {  	s13 =	simm.s32 $0xF600;
	v5 =	vld [tilespmem:s20+$0xFFFFFFE0];
	v6 =	vadd.s32 v7, v8  }
0x104: {  	v7 =	vld [tilespmem:s26+$0xFFFFFF60];
	[tilespmem:s13], [sflag:$0x1] =	stream.indirect_vreg.gather [hbm4b:s5+s3], $0x20, v1, vm0, $0xb8  }
0x105: {  	s2 =	simm.s32 $0x7400;
	v1 =	vld [tilespmem:s4+$0xFFFFFF60]  }
0x106: {  	v2 =	vadd.s32 v2, v3;
	[tilespmem:s2], [sflag:$0x1] =	stream.indirect_vreg.gather [hbm4b:s5+s3], $0x20, v0, vm0, $0xb8;
	[tilespmem:$0x1BA00] =	vst v63  }
0x107: {  	s8 =	simm.s32 $0xA000;
	v8 =	vld [tilespmem:s16+$0x70]  }
0x108: {  	v0 =	vadd.s32 v4, v5;
	[tilespmem:s8], [sflag:$0x1] =	stream.indirect_vreg.gather [hbm4b:s5+s3], $0x20, v6, vm0, $0xb8;
	v6 =	vld [tilespmem:s17+$0x70]  }
0x109: {  	v9 =	vld [tilespmem:s23+$0xFFFFFFA0]  }
0x10a: {  	s9 =	simm.s32 $0x4A00;
	v5 =	vadd.s32 v7, v1;
	v7 =	vld [tilespmem:s24+$0xFFFFFFA0]  }
0x10b: {  	v3 =	vld [tilespmem:s18+$0x30];
	[tilespmem:s9], [sflag:$0x1] =	stream.indirect_vreg.gather [hbm4b:s5+s3], $0x20, v2, vm0, $0xb8  }
0x10c: {  	s30 =	simm.s32 $0xD000;
	s31 =	simm.s32 $0x13800;
	s12 =	simm.s32 $0xCC00;
	v4 =	vld [tilespmem:s19+$0x30]  }
0x10d: {  	[tilespmem:s12], [sflag:$0x1] =	stream.indirect_vreg.gather [hbm4b:s5+s3], $0x20, v0, vm0, $0xb8;
	v0 =	vld [tilespmem:s29+$0xC0];
	v2 =	vadd.s32 v8, v6  }
0x10e: {  	s13 =	simm.s32 $0x12400;
	s2 =	simm.s32 $0x13800;
	s8 =	simm.s32 $0xA90;
	v1 =	vld [tilespmem:s0+$0xC0]  }
0x10f: {  	s9 =	simm.s32 $0xA;
	s29 =	simm.s32 $0x10400;
	s0 =	simm.s32 $0x15F0;
	v6 =	vld [tilespmem:s20+$0xFFFFFFF0];
	v7 =	vadd.s32 v9, v7  }
0x110: {  	[tilespmem:s13], [sflag:$0x1] =	stream.indirect_vreg.gather [hbm4b:s5+s3], $0x20, v5, vm0, $0xb8;
	v5 =	vld [tilespmem:s22+$0xFFFFFFF0]  }
.LBB2_3:
0x111: {  	v8 =	vld [tilespmem:s8+$0xFFFFFF30];
	s4 =	sadd.s32 $0x1A0, s4;
	v3 =	vadd.s32 v3, v4;
	s1 =	sadd.s32 $0xE00, s25;
	s13 =	smov.u32 s19  }
0x112: {  	v4 =	vld [tilespmem:s4+$0xFFFFFF30];
	[tilespmem:s1], [sflag:$0x1] =	stream.indirect_vreg.gather [hbm4b:s5+s3], $0x20, v2, vm0, $0xb8  }
0x113: {  	s19 =	smov.u32 s20;
	s20 =	smov.u32 s24;
	s1 =	sadd.s32 $0xFFFFF400, s29;
	v2 =	vld [tilespmem:s16+$0x80];
	v0 =	vadd.s32 v0, v1  }
0x114: {  	[tilespmem:s1], [sflag:$0x1] =	stream.indirect_vreg.gather [hbm4b:s5+s3], $0x20, v7, vm0, $0xb8;
	v1 =	vld [tilespmem:s17+$0x80]  }
0x115: {  	s24 =	smov.u32 s0;
	s0 =	smov.u32 s4;
	s1 =	sadd.s32 $0x600, s28;
	v7 =	vld [tilespmem:s23+$0xFFFFFFB0];
	v5 =	vadd.s32 v5, v6  }
0x116: {  	v6 =	vld [tilespmem:s20+$0xFFFFFFB0];
	[tilespmem:s1], [sflag:$0x1] =	stream.indirect_vreg.gather [hbm4b:s5+s3], $0x20, v3, vm0, $0xb8  }
0x117: {  	s1 =	sadd.s32 $0x1800, s21;
	s21 =	smov.u32 s25;
	s25 =	smov.u32 s28;
	v3 =	vadd.s32 v8, v4;
	v4 =	vld [tilespmem:s26+$0xFFFFFF70]  }
0x118: {  	v8 =	vld [tilespmem:s24+$0xFFFFFF70];
	[tilespmem:s1], [sflag:$0x1] =	stream.indirect_vreg.gather [hbm4b:s5+s3], $0x20, v0, vm0, $0xb8  }
0x119: {  	s2 =	sadd.s32 $0x3400, s2;
	s28 =	smov.u32 s30;
	s1 =	sadd.s32 $0xFFFFFE00, s30;
	v0 =	vld [tilespmem:s18+$0x40];
	v1 =	vadd.s32 v2, v1  }
0x11a: {  	[tilespmem:s1], [sflag:$0x1] =	stream.indirect_vreg.gather [hbm4b:s5+s3], $0x20, v5, vm0, $0xb8;
	v2 =	vld [tilespmem:s13+$0x40]  }
0x11b: {  	s30 =	smov.u32 s29;
	s29 =	smov.u32 s31;
	s1 =	sadd.s32 $0xFFFFE600, s2;
	v5 =	vadd.s32 v7, v6;
	v6 =	vld [tilespmem:s22+$0x0]  }
0x11c: {  	[tilespmem:s1], [sflag:$0x1] =	stream.indirect_vreg.gather [hbm4b:s5+s3], $0x20, v3, vm0, $0xb8;
	v3 =	vld [tilespmem:s19+$0x0]  }
0x11d: {  	s12 =	sadd.s32 $0x1000, s21;
	s31 =	smov.u32 s2;
	s1 =	smov.u32 s22;
	v7 =	vld [tilespmem:s8+$0xFFFFFF40];
	v4 =	vadd.s32 v4, v8  }
0x11e: {  	v8 =	vld [tilespmem:s4+$0xFFFFFF40];
	[tilespmem:s12], [sflag:$0x1] =	stream.indirect_vreg.gather [hbm4b:s5+s3], $0x20, v1, vm0, $0xb8  }
0x11f: {  	s22 =	smov.u32 s23;
	s23 =	smov.u32 s26;
	s12 =	sadd.s32 $0xFFFFF600, s30;
	v0 =	vadd.s32 v0, v2;
	v1 =	vld [tilespmem:s16+$0x90]  }
0x120: {  	[tilespmem:s12], [sflag:$0x1] =	stream.indirect_vreg.gather [hbm4b:s5+s3], $0x20, v5, vm0, $0xb8;
	v2 =	vld [tilespmem:s17+$0x90]  }
0x121: {  	s26 =	smov.u32 s8;
	s12 =	sadd.s32 $0xFFFFEE00, s29;
	v5 =	vld [tilespmem:s22+$0xFFFFFFC0];
	v3 =	vadd.s32 v6, v3  }
0x122: {  	[tilespmem:s12], [sflag:$0x1] =	stream.indirect_vreg.gather [hbm4b:s5+s3], $0x20, v4, vm0, $0xb8;
	v4 =	vld [tilespmem:s20+$0xFFFFFFC0]  }
0x123: {  	s12 =	sadd.s32 $0x800, s25;
	v6 =	vadd.s32 v7, v8;
	v7 =	vld [tilespmem:s23+$0xFFFFFF80]  }
0x124: {  	v8 =	vld [tilespmem:s24+$0xFFFFFF80];
	[tilespmem:s12], [sflag:$0x1] =	stream.indirect_vreg.gather [hbm4b:s5+s3], $0x20, v0, vm0, $0xb8  }
0x125: {  	v0 =	vld [tilespmem:s18+$0x50];
	v1 =	vadd.s32 v1, v2  }
0x126: {  	[tilespmem:s28], [sflag:$0x1] =	stream.indirect_vreg.gather [hbm4b:s5+s3], $0x20, v3, vm0, $0xb8;
	v2 =	vld [tilespmem:s13+$0x50]  }
0x127: {  	s12 =	sadd.s32 $0xFFFFE800, s2;
	v3 =	vadd.s32 v5, v4;
	v4 =	vld [tilespmem:s1+$0x10]  }
0x128: {  	[tilespmem:s12], [sflag:$0x1] =	stream.indirect_vreg.gather [hbm4b:s5+s3], $0x20, v6, vm0, $0xb8;
	v5 =	vld [tilespmem:s19+$0x10]  }
0x129: {  	s12 =	sadd.s32 $0x1200, s21;
	v6 =	vld [tilespmem:s8+$0xFFFFFF50];
	v7 =	vadd.s32 v7, v8  }
0x12a: {  	v8 =	vld [tilespmem:s4+$0xFFFFFF50];
	[tilespmem:s12], [sflag:$0x1] =	stream.indirect_vreg.gather [hbm4b:s5+s3], $0x20, v1, vm0, $0xb8  }
0x12b: {  	s12 =	sadd.s32 $0xFFFFF800, s30;
	v0 =	vadd.s32 v0, v2;
	v1 =	vld [tilespmem:s16+$0xA0]  }
0x12c: {  	[tilespmem:s12], [sflag:$0x1] =	stream.indirect_vreg.gather [hbm4b:s5+s3], $0x20, v3, vm0, $0xb8;
	v2 =	vld [tilespmem:s17+$0xA0]  }
0x12d: {  	s12 =	sadd.s32 $0xFFFFF000, s29;
	v3 =	vld [tilespmem:s22+$0xFFFFFFD0];
	v4 =	vadd.s32 v4, v5  }
0x12e: {  	[tilespmem:s12], [sflag:$0x1] =	stream.indirect_vreg.gather [hbm4b:s5+s3], $0x20, v7, vm0, $0xb8;
	v5 =	vld [tilespmem:s20+$0xFFFFFFD0]  }
0x12f: {  	s12 =	sadd.s32 $0xA00, s25;
	v6 =	vadd.s32 v6, v8;
	v7 =	vld [tilespmem:s23+$0xFFFFFF90]  }
0x130: {  	v8 =	vld [tilespmem:s24+$0xFFFFFF90];
	[tilespmem:s12], [sflag:$0x1] =	stream.indirect_vreg.gather [hbm4b:s5+s3], $0x20, v0, vm0, $0xb8  }
0x131: {  	s12 =	sadd.s32 $0x200, s28;
	v0 =	vld [tilespmem:s18+$0x60];
	v1 =	vadd.s32 v1, v2  }
0x132: {  	[tilespmem:s12], [sflag:$0x1] =	stream.indirect_vreg.gather [hbm4b:s5+s3], $0x20, v4, vm0, $0xb8;
	v2 =	vld [tilespmem:s13+$0x60]  }
0x133: {  	s12 =	sadd.s32 $0xFFFFEA00, s2;
	v3 =	vadd.s32 v3, v5;
	v4 =	vld [tilespmem:s1+$0x20]  }
0x134: {  	[tilespmem:s12], [sflag:$0x1] =	stream.indirect_vreg.gather [hbm4b:s5+s3], $0x20, v6, vm0, $0xb8;
	v5 =	vld [tilespmem:s19+$0x20]  }
0x135: {  	s12 =	sadd.s32 $0x1400, s21;
	v6 =	vadd.s32 v7, v8  }
0x136: {  	[tilespmem:s12], [sflag:$0x1] =	stream.indirect_vreg.gather [hbm4b:s5+s3], $0x20, v1, vm0, $0xb8;
	[tilespmem:$0x1BA00] =	vst v63  }
0x137: {  	s12 =	sadd.s32 $0xFFFFFA00, s30;
	v0 =	vadd.s32 v0, v2;
	v1 =	vld [tilespmem:s16+$0xB0]  }
0x138: {  	[tilespmem:s12], [sflag:$0x1] =	stream.indirect_vreg.gather [hbm4b:s5+s3], $0x20, v3, vm0, $0xb8;
	v2 =	vld [tilespmem:s17+$0xB0]  }
0x139: {  	s12 =	sadd.s32 $0xFFFFF200, s29;
	v3 =	vld [tilespmem:s22+$0xFFFFFFE0];
	v4 =	vadd.s32 v4, v5  }
0x13a: {  	[tilespmem:s12], [sflag:$0x1] =	stream.indirect_vreg.gather [hbm4b:s5+s3], $0x20, v6, vm0, $0xb8;
	v5 =	vld [tilespmem:s20+$0xFFFFFFE0]  }
0x13b: {  	s12 =	sadd.s32 $0xC00, s25;
	v6 =	vld [tilespmem:s8+$0xFFFFFF60]  }
0x13c: {  	v7 =	vld [tilespmem:s4+$0xFFFFFF60];
	[tilespmem:s12], [sflag:$0x1] =	stream.indirect_vreg.gather [hbm4b:s5+s3], $0x20, v0, vm0, $0xb8  }
0x13d: {  	s12 =	sadd.s32 $0x400, s28;
	v0 =	vld [tilespmem:s18+$0x70];
	v1 =	vadd.s32 v1, v2  }
0x13e: {  	[tilespmem:s12], [sflag:$0x1] =	stream.indirect_vreg.gather [hbm4b:s5+s3], $0x20, v4, vm0, $0xb8;
	v2 =	vld [tilespmem:s13+$0x70]  }
0x13f: {  	s9 =	sadd.s32 $0x2, s9;
	v8 =	vld [tilespmem:s23+$0xFFFFFFA0];
	v5 =	vadd.s32 v3, v5  }
0x140: {  	p0 =	slt.u32 s9, $0xE;
	v9 =	vld [tilespmem:s24+$0xFFFFFFA0]  }
0x141: {  	s12 =	sadd.s32 $0x1600, s21;
	v6 =	vadd.s32 v6, v7;
	v3 =	vld [tilespmem:s1+$0x30]  }
0x142: {  	v4 =	vld [tilespmem:s19+$0x30];
	[tilespmem:s12], [sflag:$0x1] =	stream.indirect_vreg.gather [hbm4b:s5+s3], $0x20, v1, vm0, $0xb8  }
.Ltmp0:
0x143: {  	_ = 	snop;
	(pc) =	sbr.rel @p0 .LBB2_3-.Ltmp0, $4  }
0x144: {  	s12 =	sadd.s32 $0xFFFFFC00, s30;
	v2 =	vadd.s32 v0, v2;
	v0 =	vld [tilespmem:s16+$0xC0];
	s16 =	smov.u32 s18;
	s18 =	smov.u32 s1  }
0x145: {  	[tilespmem:s12], [sflag:$0x1] =	stream.indirect_vreg.gather [hbm4b:s5+s3], $0x20, v5, vm0, $0xb8;
	v1 =	vld [tilespmem:s17+$0xC0]  }
0x146: {  	s8 =	sadd.s32 $0x1A0, s8;
	s1 =	sadd.s32 $0xFFFFEC00, s2;
	s17 =	smov.u32 s13;
	v7 =	vadd.s32 v8, v9;
	v5 =	vld [tilespmem:s22+$0xFFFFFFF0]  }
0x147: {  	[tilespmem:s1], [sflag:$0x1] =	stream.indirect_vreg.gather [hbm4b:s5+s3], $0x20, v6, vm0, $0xb8;
	v6 =	vld [tilespmem:s20+$0xFFFFFFF0]  }
0x148: {  	v8 =	vld [tilespmem:s26+$0xFFFFFF70]  }
0x149: {  	v9 =	vld [tilespmem:s0+$0xFFFFFF70];
	_ =	sdelay $0x4  }
0x14a: {  	v8 =	vadd.s32 v8, v9;
	_ =	sdelay $0x3  }
0x14b: {  	s1 =	sadd.s32 $0xFFFFEE00, s31  }
0x14c: {  	[tilespmem:s1], [sflag:$0x1] =	stream.indirect_vreg.gather [hbm4b:s5+s3], $0x20, v8, vm0, $0xb8;
	[tilespmem:$0x1BA00] =	vst v63  }
0x14d: {  	v8 =	vld [tilespmem:s26+$0xFFFFFF80]  }
0x14e: {  	v42 =	vld [tilespmem:s0+$0xFFFFFF80];
	_ =	sdelay $0x4  }
0x14f: {  	v8 =	vadd.s32 v8, v42;
	_ =	sdelay $0x3  }
0x150: {  	s8 =	sadd.s32 $0xFFFFF000, s31  }
0x151: {  	[tilespmem:s8], [sflag:$0x1] =	stream.indirect_vreg.gather [hbm4b:s5+s3], $0x20, v8, vm0, $0xb8;
	[tilespmem:$0x1BA00] =	vst v63  }
0x152: {  	v8 =	vld [tilespmem:s26+$0xFFFFFF90]  }
0x153: {  	v43 =	vld [tilespmem:s0+$0xFFFFFF90];
	_ =	sdelay $0x4  }
0x154: {  	v8 =	vadd.s32 v8, v43;
	_ =	sdelay $0x3  }
0x155: {  	s9 =	sadd.s32 $0xFFFFF200, s31  }
0x156: {  	[tilespmem:s9], [sflag:$0x1] =	stream.indirect_vreg.gather [hbm4b:s5+s3], $0x20, v8, vm0, $0xb8;
	[tilespmem:$0x1BA00] =	vst v63  }
0x157: {  	v8 =	vld [tilespmem:s26+$0xFFFFFFA0]  }
0x158: {  	v44 =	vld [tilespmem:s0+$0xFFFFFFA0];
	_ =	sdelay $0x4  }
0x159: {  	s12 =	sadd.s32 $0xFFFFF400, s29;
	v8 =	vadd.s32 v8, v44  }
0x15a: {  	[tilespmem:s12], [sflag:$0x1] =	stream.indirect_vreg.gather [hbm4b:s5+s3], $0x20, v7, vm0, $0xb8;
	[tilespmem:$0x1BA00] =	vst v63  }
0x15b: {  	v7 =	vld [tilespmem:s23+$0xFFFFFFB0]  }
0x15c: {  	v45 =	vld [tilespmem:s24+$0xFFFFFFB0]  }
0x15d: {  	s13 =	sadd.s32 $0xFFFFF400, s31  }
0x15e: {  	[tilespmem:s13], [sflag:$0x1] =	stream.indirect_vreg.gather [hbm4b:s5+s3], $0x20, v8, vm0, $0xb8;
	[tilespmem:$0x1BA00] =	vst v63  }
0x15f: {  	v8 =	vld [tilespmem:s26+$0xFFFFFFB0]  }
0x160: {  	v10 =	vld [tilespmem:s0+$0xFFFFFFB0]  }
0x161: {  	v7 =	vadd.s32 v7, v45;
	_ =	sdelay $0x3  }
0x162: {  	s2 =	sadd.s32 $0xFFFFF600, s29;
	v8 =	vadd.s32 v8, v10  }
0x163: {  	[tilespmem:s2], [sflag:$0x1] =	stream.indirect_vreg.gather [hbm4b:s5+s3], $0x20, v7, vm0, $0xb8;
	[tilespmem:$0x1BA00] =	vst v63  }
0x164: {  	v7 =	vld [tilespmem:s23+$0xFFFFFFC0]  }
0x165: {  	v46 =	vld [tilespmem:s24+$0xFFFFFFC0]  }
0x166: {  	s4 =	sadd.s32 $0xFFFFF600, s31  }
0x167: {  	[tilespmem:s4], [sflag:$0x1] =	stream.indirect_vreg.gather [hbm4b:s5+s3], $0x20, v8, vm0, $0xb8;
	[tilespmem:$0x1BA00] =	vst v63  }
0x168: {  	v8 =	vld [tilespmem:s26+$0xFFFFFFC0]  }
0x169: {  	v47 =	vld [tilespmem:s0+$0xFFFFFFC0]  }
0x16a: {  	v7 =	vadd.s32 v7, v46;
	_ =	sdelay $0x3  }
0x16b: {  	s8 =	sadd.s32 $0xFFFFF800, s29;
	v8 =	vadd.s32 v8, v47  }
0x16c: {  	[tilespmem:s8], [sflag:$0x1] =	stream.indirect_vreg.gather [hbm4b:s5+s3], $0x20, v7, vm0, $0xb8;
	[tilespmem:$0x1BA00] =	vst v63  }
0x16d: {  	v7 =	vld [tilespmem:s23+$0xFFFFFFD0]  }
0x16e: {  	v48 =	vld [tilespmem:s24+$0xFFFFFFD0]  }
0x16f: {  	s9 =	sadd.s32 $0xFFFFF800, s31  }
0x170: {  	[tilespmem:s9], [sflag:$0x1] =	stream.indirect_vreg.gather [hbm4b:s5+s3], $0x20, v8, vm0, $0xb8;
	[tilespmem:$0x1BA00] =	vst v63  }
0x171: {  	v8 =	vld [tilespmem:s26+$0xFFFFFFD0]  }
0x172: {  	v49 =	vld [tilespmem:s0+$0xFFFFFFD0]  }
0x173: {  	v7 =	vadd.s32 v7, v48;
	_ =	sdelay $0x3  }
0x174: {  	s12 =	sadd.s32 $0xFFFFFA00, s29;
	v8 =	vadd.s32 v8, v49  }
0x175: {  	[tilespmem:s12], [sflag:$0x1] =	stream.indirect_vreg.gather [hbm4b:s5+s3], $0x20, v7, vm0, $0xb8;
	[tilespmem:$0x1BA00] =	vst v63  }
0x176: {  	v7 =	vld [tilespmem:s23+$0xFFFFFFE0]  }
0x177: {  	v50 =	vld [tilespmem:s24+$0xFFFFFFE0]  }
0x178: {  	s13 =	sadd.s32 $0xFFFFFA00, s31  }
0x179: {  	[tilespmem:s13], [sflag:$0x1] =	stream.indirect_vreg.gather [hbm4b:s5+s3], $0x20, v8, vm0, $0xb8;
	[tilespmem:$0x1BA00] =	vst v63  }
0x17a: {  	v8 =	vld [tilespmem:s26+$0xFFFFFFE0]  }
0x17b: {  	v51 =	vld [tilespmem:s0+$0xFFFFFFE0]  }
0x17c: {  	v7 =	vadd.s32 v7, v50;
	_ =	sdelay $0x3  }
0x17d: {  	s2 =	sadd.s32 $0xFFFFFC00, s29;
	v8 =	vadd.s32 v8, v51  }
0x17e: {  	[tilespmem:s2], [sflag:$0x1] =	stream.indirect_vreg.gather [hbm4b:s5+s3], $0x20, v7, vm0, $0xb8;
	[tilespmem:$0x1BA00] =	vst v63  }
0x17f: {  	v7 =	vld [tilespmem:s23+$0xFFFFFFF0]  }
0x180: {  	v52 =	vld [tilespmem:s24+$0xFFFFFFF0]  }
0x181: {  	s4 =	sadd.s32 $0xFFFFFC00, s31  }
0x182: {  	[tilespmem:s4], [sflag:$0x1] =	stream.indirect_vreg.gather [hbm4b:s5+s3], $0x20, v8, vm0, $0xb8;
	[tilespmem:$0x1BA00] =	vst v63  }
0x183: {  	v8 =	vld [tilespmem:s26+$0xFFFFFFF0]  }
0x184: {  	v53 =	vld [tilespmem:s0+$0xFFFFFFF0]  }
0x185: {  	v54 =	vadd.s32 v7, v52;
	_ =	sdelay $0x1  }
0x186: {  	v5 =	vadd.s32 v5, v6;
	_ =	sdelay $0x1  }
0x187: {  	s9 =	sadd.s32 $0xFFFFFE00, s29;
	v55 =	vadd.s32 v8, v53  }
0x188: {  	[tilespmem:s9], [sflag:$0x1] =	stream.indirect_vreg.gather [hbm4b:s5+s3], $0x20, v54, vm0, $0xb8;
	[tilespmem:$0x1BA00] =	vst v63  }
0x189: {  	s8 =	sadd.s32 $0xFFFFFE00, s30;
	v6 =	vld [tilespmem:s23+$0x0]  }
0x18a: {  	[tilespmem:s8], [sflag:$0x1] =	stream.indirect_vreg.gather [hbm4b:s5+s3], $0x20, v5, vm0, $0xb8;
	v57 =	vld [tilespmem:s24+$0x0]  }
0x18b: {  	v5 =	vld [tilespmem:s22+$0x0];
	s12 =	sadd.s32 $0xFFFFFE00, s31  }
0x18c: {  	v56 =	vld [tilespmem:s20+$0x0];
	[tilespmem:s12], [sflag:$0x1] =	stream.indirect_vreg.gather [hbm4b:s5+s3], $0x20, v55, vm0, $0xb8  }
0x18d: {  	v7 =	vld [tilespmem:s26+$0x0]  }
0x18e: {  	v58 =	vld [tilespmem:s0+$0x0]  }
0x18f: {  	v6 =	vadd.s32 v6, v57;
	_ =	sdelay $0x1  }
0x190: {  	v5 =	vadd.s32 v5, v56;
	_ =	sdelay $0x1  }
0x191: {  	v7 =	vadd.s32 v7, v58  }
0x192: {  	[tilespmem:s29], [sflag:$0x1] =	stream.indirect_vreg.gather [hbm4b:s5+s3], $0x20, v6, vm0, $0xb8;
	[tilespmem:$0x1BA00] =	vst v63  }
0x193: {  	v6 =	vld [tilespmem:s23+$0x10]  }
0x194: {  	[tilespmem:s30], [sflag:$0x1] =	stream.indirect_vreg.gather [hbm4b:s5+s3], $0x20, v5, vm0, $0xb8;
	v60 =	vld [tilespmem:s24+$0x10]  }
0x195: {  	v5 =	vld [tilespmem:s22+$0x10]  }
0x196: {  	v59 =	vld [tilespmem:s20+$0x10];
	[tilespmem:s31], [sflag:$0x1] =	stream.indirect_vreg.gather [hbm4b:s5+s3], $0x20, v7, vm0, $0xb8  }
0x197: {  	v7 =	vld [tilespmem:s26+$0x10]  }
0x198: {  	v61 =	vld [tilespmem:s0+$0x10]  }
0x199: {  	v6 =	vadd.s32 v6, v60;
	_ =	sdelay $0x1  }
0x19a: {  	v5 =	vadd.s32 v5, v59;
	_ =	sdelay $0x1  }
0x19b: {  	s2 =	sadd.s32 $0x200, s29;
	v7 =	vadd.s32 v7, v61  }
0x19c: {  	[tilespmem:s2], [sflag:$0x1] =	stream.indirect_vreg.gather [hbm4b:s5+s3], $0x20, v6, vm0, $0xb8;
	[tilespmem:$0x1BA00] =	vst v63  }
0x19d: {  	s13 =	sadd.s32 $0x200, s30;
	v6 =	vld [tilespmem:s23+$0x20]  }
0x19e: {  	[tilespmem:s13], [sflag:$0x1] =	stream.indirect_vreg.gather [hbm4b:s5+s3], $0x20, v5, vm0, $0xb8;
	v63 =	vld [tilespmem:s24+$0x20]  }
0x19f: {  	v5 =	vld [tilespmem:s22+$0x20];
	s4 =	sadd.s32 $0x200, s31  }
0x1a0: {  	v62 =	vld [tilespmem:s20+$0x20];
	[tilespmem:s4], [sflag:$0x1] =	stream.indirect_vreg.gather [hbm4b:s5+s3], $0x20, v7, vm0, $0xb8  }
0x1a1: {  	v7 =	vld [tilespmem:s26+$0x20]  }
0x1a2: {  	v12 =	vld [tilespmem:s0+$0x20]  }
0x1a3: {  	v6 =	vadd.s32 v6, v63;
	_ =	sdelay $0x1  }
0x1a4: {  	v5 =	vadd.s32 v5, v62;
	_ =	sdelay $0x1  }
0x1a5: {  	s9 =	sadd.s32 $0x400, s29;
	v7 =	vadd.s32 v7, v12  }
0x1a6: {  	[tilespmem:s9], [sflag:$0x1] =	stream.indirect_vreg.gather [hbm4b:s5+s3], $0x20, v6, vm0, $0xb8;
	[tilespmem:$0x1BA00] =	vst v63  }
0x1a7: {  	s8 =	sadd.s32 $0x400, s30;
	v6 =	vld [tilespmem:s23+$0x30]  }
0x1a8: {  	[tilespmem:s8], [sflag:$0x1] =	stream.indirect_vreg.gather [hbm4b:s5+s3], $0x20, v5, vm0, $0xb8;
	v14 =	vld [tilespmem:s24+$0x30]  }
0x1a9: {  	v5 =	vld [tilespmem:s22+$0x30];
	s12 =	sadd.s32 $0x400, s31  }
0x1aa: {  	v13 =	vld [tilespmem:s20+$0x30];
	[tilespmem:s12], [sflag:$0x1] =	stream.indirect_vreg.gather [hbm4b:s5+s3], $0x20, v7, vm0, $0xb8  }
0x1ab: {  	v3 =	vadd.s32 v3, v4;
	v15 =	vld [tilespmem:s26+$0x30]  }
0x1ac: {  	v7 =	vld [tilespmem:s0+$0x30]  }
0x1ad: {  	v6 =	vadd.s32 v6, v14;
	_ =	sdelay $0x1  }
0x1ae: {  	s13 =	sadd.s32 $0x600, s28;
	v5 =	vadd.s32 v5, v13  }
0x1af: {  	[tilespmem:s13], [sflag:$0x1] =	stream.indirect_vreg.gather [hbm4b:s5+s3], $0x20, v3, vm0, $0xb8;
	[tilespmem:$0x1BA00] =	vst v63  }
0x1b0: {  	v3 =	vld [tilespmem:s18+$0x40];
	s4 =	sadd.s32 $0x600, s29;
	v4 =	vadd.s32 v15, v7  }
0x1b1: {  	v16 =	vld [tilespmem:s19+$0x40];
	[tilespmem:s4], [sflag:$0x1] =	stream.indirect_vreg.gather [hbm4b:s5+s3], $0x20, v6, vm0, $0xb8  }
0x1b2: {  	s2 =	sadd.s32 $0x600, s30;
	v6 =	vld [tilespmem:s23+$0x40]  }
0x1b3: {  	[tilespmem:s2], [sflag:$0x1] =	stream.indirect_vreg.gather [hbm4b:s5+s3], $0x20, v5, vm0, $0xb8;
	v18 =	vld [tilespmem:s24+$0x40]  }
0x1b4: {  	s8 =	sadd.s32 $0x600, s31;
	v5 =	vld [tilespmem:s22+$0x40]  }
0x1b5: {  	v17 =	vld [tilespmem:s20+$0x40];
	[tilespmem:s8], [sflag:$0x1] =	stream.indirect_vreg.gather [hbm4b:s5+s3], $0x20, v4, vm0, $0xb8  }
0x1b6: {  	v3 =	vadd.s32 v3, v16;
	v4 =	vld [tilespmem:s26+$0x40]  }
0x1b7: {  	v19 =	vld [tilespmem:s0+$0x40]  }
0x1b8: {  	v6 =	vadd.s32 v6, v18;
	_ =	sdelay $0x1  }
0x1b9: {  	s9 =	sadd.s32 $0x800, s28;
	v5 =	vadd.s32 v5, v17  }
0x1ba: {  	[tilespmem:s9], [sflag:$0x1] =	stream.indirect_vreg.gather [hbm4b:s5+s3], $0x20, v3, vm0, $0xb8;
	[tilespmem:$0x1BA00] =	vst v63  }
0x1bb: {  	s13 =	sadd.s32 $0x800, s29;
	v3 =	vld [tilespmem:s18+$0x50];
	v4 =	vadd.s32 v4, v19  }
0x1bc: {  	v20 =	vld [tilespmem:s19+$0x50];
	[tilespmem:s13], [sflag:$0x1] =	stream.indirect_vreg.gather [hbm4b:s5+s3], $0x20, v6, vm0, $0xb8  }
0x1bd: {  	s12 =	sadd.s32 $0x800, s30;
	v6 =	vld [tilespmem:s23+$0x50]  }
0x1be: {  	[tilespmem:s12], [sflag:$0x1] =	stream.indirect_vreg.gather [hbm4b:s5+s3], $0x20, v5, vm0, $0xb8;
	v22 =	vld [tilespmem:s24+$0x50]  }
0x1bf: {  	s2 =	sadd.s32 $0x800, s31;
	v5 =	vld [tilespmem:s22+$0x50]  }
0x1c0: {  	v21 =	vld [tilespmem:s20+$0x50];
	[tilespmem:s2], [sflag:$0x1] =	stream.indirect_vreg.gather [hbm4b:s5+s3], $0x20, v4, vm0, $0xb8  }
0x1c1: {  	v3 =	vadd.s32 v3, v20;
	v4 =	vld [tilespmem:s26+$0x50]  }
0x1c2: {  	v23 =	vld [tilespmem:s0+$0x50]  }
0x1c3: {  	v6 =	vadd.s32 v6, v22;
	_ =	sdelay $0x1  }
0x1c4: {  	s4 =	sadd.s32 $0xA00, s28;
	v5 =	vadd.s32 v5, v21  }
0x1c5: {  	[tilespmem:s4], [sflag:$0x1] =	stream.indirect_vreg.gather [hbm4b:s5+s3], $0x20, v3, vm0, $0xb8;
	[tilespmem:$0x1BA00] =	vst v63  }
0x1c6: {  	s9 =	sadd.s32 $0xA00, s29;
	v3 =	vld [tilespmem:s18+$0x60];
	v4 =	vadd.s32 v4, v23  }
0x1c7: {  	v24 =	vld [tilespmem:s19+$0x60];
	[tilespmem:s9], [sflag:$0x1] =	stream.indirect_vreg.gather [hbm4b:s5+s3], $0x20, v6, vm0, $0xb8  }
0x1c8: {  	s8 =	sadd.s32 $0xA00, s30;
	v6 =	vld [tilespmem:s23+$0x60]  }
0x1c9: {  	[tilespmem:s8], [sflag:$0x1] =	stream.indirect_vreg.gather [hbm4b:s5+s3], $0x20, v5, vm0, $0xb8;
	v26 =	vld [tilespmem:s24+$0x60]  }
0x1ca: {  	s12 =	sadd.s32 $0xA00, s31;
	v5 =	vld [tilespmem:s22+$0x60]  }
0x1cb: {  	v25 =	vld [tilespmem:s20+$0x60];
	[tilespmem:s12], [sflag:$0x1] =	stream.indirect_vreg.gather [hbm4b:s5+s3], $0x20, v4, vm0, $0xb8  }
0x1cc: {  	v3 =	vadd.s32 v3, v24;
	v4 =	vld [tilespmem:s26+$0x60]  }
0x1cd: {  	v27 =	vld [tilespmem:s0+$0x60]  }
0x1ce: {  	v6 =	vadd.s32 v6, v26;
	_ =	sdelay $0x1  }
0x1cf: {  	s13 =	sadd.s32 $0xC00, s28;
	v5 =	vadd.s32 v5, v25  }
0x1d0: {  	[tilespmem:s13], [sflag:$0x1] =	stream.indirect_vreg.gather [hbm4b:s5+s3], $0x20, v3, vm0, $0xb8;
	[tilespmem:$0x1BA00] =	vst v63  }
0x1d1: {  	s4 =	sadd.s32 $0xC00, s29;
	v3 =	vld [tilespmem:s18+$0x70];
	v4 =	vadd.s32 v4, v27  }
0x1d2: {  	v28 =	vld [tilespmem:s19+$0x70];
	[tilespmem:s4], [sflag:$0x1] =	stream.indirect_vreg.gather [hbm4b:s5+s3], $0x20, v6, vm0, $0xb8  }
0x1d3: {  	s2 =	sadd.s32 $0xC00, s30;
	v6 =	vld [tilespmem:s23+$0x70]  }
0x1d4: {  	[tilespmem:s2], [sflag:$0x1] =	stream.indirect_vreg.gather [hbm4b:s5+s3], $0x20, v5, vm0, $0xb8;
	v30 =	vld [tilespmem:s24+$0x70]  }
0x1d5: {  	s8 =	sadd.s32 $0xC00, s31;
	v5 =	vld [tilespmem:s22+$0x70]  }
0x1d6: {  	v29 =	vld [tilespmem:s20+$0x70];
	[tilespmem:s8], [sflag:$0x1] =	stream.indirect_vreg.gather [hbm4b:s5+s3], $0x20, v4, vm0, $0xb8  }
0x1d7: {  	v3 =	vadd.s32 v3, v28;
	v4 =	vld [tilespmem:s26+$0x70]  }
0x1d8: {  	v31 =	vld [tilespmem:s0+$0x70]  }
0x1d9: {  	s9 =	sadd.s32 $0xE00, s25;
	v6 =	vadd.s32 v6, v30  }
0x1da: {  	[tilespmem:s9], [sflag:$0x1] =	stream.indirect_vreg.gather [hbm4b:s5+s3], $0x20, v2, vm0, $0xb8;
	[tilespmem:$0x1BA00] =	vst v63  }
0x1db: {  	v2 =	vld [tilespmem:s16+$0x80];
	v5 =	vadd.s32 v5, v29;
	s12 =	sadd.s32 $0xE00, s28  }
0x1dc: {  	v32 =	vld [tilespmem:s17+$0x80];
	[tilespmem:s12], [sflag:$0x1] =	stream.indirect_vreg.gather [hbm4b:s5+s3], $0x20, v3, vm0, $0xb8  }
0x1dd: {  	s2 =	sadd.s32 $0xE00, s29;
	v3 =	vld [tilespmem:s18+$0x80];
	v4 =	vadd.s32 v4, v31  }
0x1de: {  	[tilespmem:s2], [sflag:$0x1] =	stream.indirect_vreg.gather [hbm4b:s5+s3], $0x20, v6, vm0, $0xb8;
	v33 =	vld [tilespmem:s19+$0x80]  }
0x1df: {  	s13 =	sadd.s32 $0xE00, s30;
	v6 =	vld [tilespmem:s23+$0x80]  }
0x1e0: {  	[tilespmem:s13], [sflag:$0x1] =	stream.indirect_vreg.gather [hbm4b:s5+s3], $0x20, v5, vm0, $0xb8;
	v35 =	vld [tilespmem:s24+$0x80]  }
0x1e1: {  	v2 =	vadd.s32 v2, v32;
	s4 =	sadd.s32 $0xE00, s31;
	v5 =	vld [tilespmem:s22+$0x80]  }
0x1e2: {  	v34 =	vld [tilespmem:s20+$0x80];
	[tilespmem:s4], [sflag:$0x1] =	stream.indirect_vreg.gather [hbm4b:s5+s3], $0x20, v4, vm0, $0xb8  }
0x1e3: {  	v3 =	vadd.s32 v3, v33;
	v4 =	vld [tilespmem:s26+$0x80]  }
0x1e4: {  	v36 =	vld [tilespmem:s0+$0x80]  }
0x1e5: {  	v6 =	vadd.s32 v6, v35;
	s8 =	sadd.s32 $0x1000, s25  }
0x1e6: {  	[tilespmem:s8], [sflag:$0x1] =	stream.indirect_vreg.gather [hbm4b:s5+s3], $0x20, v2, vm0, $0xb8;
	[tilespmem:$0x1BA00] =	vst v63  }
0x1e7: {  	s9 =	sadd.s32 $0x1000, s28;
	v5 =	vadd.s32 v5, v34;
	v2 =	vld [tilespmem:s16+$0x90]  }
0x1e8: {  	[tilespmem:s9], [sflag:$0x1] =	stream.indirect_vreg.gather [hbm4b:s5+s3], $0x20, v3, vm0, $0xb8;
	v37 =	vld [tilespmem:s17+$0x90]  }
0x1e9: {  	s13 =	sadd.s32 $0x1000, s29;
	v3 =	vld [tilespmem:s18+$0x90];
	v4 =	vadd.s32 v4, v36  }
0x1ea: {  	[tilespmem:s13], [sflag:$0x1] =	stream.indirect_vreg.gather [hbm4b:s5+s3], $0x20, v6, vm0, $0xb8;
	v38 =	vld [tilespmem:s19+$0x90]  }
0x1eb: {  	s12 =	sadd.s32 $0x1000, s30;
	v6 =	vld [tilespmem:s23+$0x90]  }
0x1ec: {  	[tilespmem:s12], [sflag:$0x1] =	stream.indirect_vreg.gather [hbm4b:s5+s3], $0x20, v5, vm0, $0xb8;
	v40 =	vld [tilespmem:s24+$0x90]  }
0x1ed: {  	s2 =	sadd.s32 $0x1000, s31;
	v5 =	vld [tilespmem:s22+$0x90];
	v2 =	vadd.s32 v2, v37  }
0x1ee: {  	v39 =	vld [tilespmem:s20+$0x90];
	[tilespmem:s2], [sflag:$0x1] =	stream.indirect_vreg.gather [hbm4b:s5+s3], $0x20, v4, vm0, $0xb8  }
0x1ef: {  	v3 =	vadd.s32 v3, v38;
	v4 =	vld [tilespmem:s26+$0x90]  }
0x1f0: {  	v41 =	vld [tilespmem:s0+$0x90]  }
0x1f1: {  	v6 =	vadd.s32 v6, v40;
	s4 =	sadd.s32 $0x1200, s25  }
0x1f2: {  	[tilespmem:s4], [sflag:$0x1] =	stream.indirect_vreg.gather [hbm4b:s5+s3], $0x20, v2, vm0, $0xb8;
	[tilespmem:$0x1BA00] =	vst v63  }
0x1f3: {  	s8 =	sadd.s32 $0x1200, s28;
	v5 =	vadd.s32 v5, v39;
	v2 =	vld [tilespmem:s16+$0xA0]  }
0x1f4: {  	[tilespmem:s8], [sflag:$0x1] =	stream.indirect_vreg.gather [hbm4b:s5+s3], $0x20, v3, vm0, $0xb8;
	v42 =	vld [tilespmem:s17+$0xA0]  }
0x1f5: {  	s12 =	sadd.s32 $0x1200, s29;
	v3 =	vld [tilespmem:s18+$0xA0];
	v4 =	vadd.s32 v4, v41  }
0x1f6: {  	[tilespmem:s12], [sflag:$0x1] =	stream.indirect_vreg.gather [hbm4b:s5+s3], $0x20, v6, vm0, $0xb8;
	v43 =	vld [tilespmem:s19+$0xA0]  }
0x1f7: {  	s9 =	sadd.s32 $0x1200, s30;
	v6 =	vld [tilespmem:s23+$0xA0]  }
0x1f8: {  	[tilespmem:s9], [sflag:$0x1] =	stream.indirect_vreg.gather [hbm4b:s5+s3], $0x20, v5, vm0, $0xb8;
	v45 =	vld [tilespmem:s24+$0xA0]  }
0x1f9: {  	s13 =	sadd.s32 $0x1200, s31;
	v5 =	vld [tilespmem:s22+$0xA0];
	v2 =	vadd.s32 v2, v42  }
0x1fa: {  	v44 =	vld [tilespmem:s20+$0xA0];
	[tilespmem:s13], [sflag:$0x1] =	stream.indirect_vreg.gather [hbm4b:s5+s3], $0x20, v4, vm0, $0xb8  }
0x1fb: {  	v3 =	vadd.s32 v3, v43;
	v4 =	vld [tilespmem:s26+$0xA0]  }
0x1fc: {  	v46 =	vld [tilespmem:s0+$0xA0]  }
0x1fd: {  	v6 =	vadd.s32 v6, v45;
	s2 =	sadd.s32 $0x1400, s25  }
0x1fe: {  	[tilespmem:s2], [sflag:$0x1] =	stream.indirect_vreg.gather [hbm4b:s5+s3], $0x20, v2, vm0, $0xb8;
	[tilespmem:$0x1BA00] =	vst v63  }
0x1ff: {  	s4 =	sadd.s32 $0x1400, s28;
	v5 =	vadd.s32 v5, v44;
	v2 =	vld [tilespmem:s16+$0xB0]  }
0x200: {  	[tilespmem:s4], [sflag:$0x1] =	stream.indirect_vreg.gather [hbm4b:s5+s3], $0x20, v3, vm0, $0xb8;
	v47 =	vld [tilespmem:s17+$0xB0]  }
0x201: {  	s9 =	sadd.s32 $0x1400, s29;
	v3 =	vld [tilespmem:s18+$0xB0];
	v4 =	vadd.s32 v4, v46  }
0x202: {  	[tilespmem:s9], [sflag:$0x1] =	stream.indirect_vreg.gather [hbm4b:s5+s3], $0x20, v6, vm0, $0xb8;
	v48 =	vld [tilespmem:s19+$0xB0]  }
0x203: {  	s8 =	sadd.s32 $0x1400, s30;
	v6 =	vld [tilespmem:s23+$0xB0]  }
0x204: {  	[tilespmem:s8], [sflag:$0x1] =	stream.indirect_vreg.gather [hbm4b:s5+s3], $0x20, v5, vm0, $0xb8;
	v50 =	vld [tilespmem:s24+$0xB0]  }
0x205: {  	s12 =	sadd.s32 $0x1400, s31;
	v5 =	vld [tilespmem:s22+$0xB0];
	v2 =	vadd.s32 v2, v47  }
0x206: {  	v49 =	vld [tilespmem:s20+$0xB0];
	[tilespmem:s12], [sflag:$0x1] =	stream.indirect_vreg.gather [hbm4b:s5+s3], $0x20, v4, vm0, $0xb8  }
0x207: {  	v3 =	vadd.s32 v3, v48;
	v4 =	vld [tilespmem:s26+$0xB0]  }
0x208: {  	v51 =	vld [tilespmem:s0+$0xB0]  }
0x209: {  	v52 =	vadd.s32 v6, v50;
	s13 =	sadd.s32 $0x1600, s25  }
0x20a: {  	[tilespmem:s13], [sflag:$0x1] =	stream.indirect_vreg.gather [hbm4b:s5+s3], $0x20, v2, vm0, $0xb8;
	[tilespmem:$0x1BA00] =	vst v63  }
0x20b: {  	v5 =	vadd.s32 v5, v49;
	v53 =	vld [tilespmem:s16+$0xC0];
	s16 =	sadd.s32 $0x1600, s28  }
0x20c: {  	v54 =	vld [tilespmem:s17+$0xC0];
	[tilespmem:s16], [sflag:$0x1] =	stream.indirect_vreg.gather [hbm4b:s5+s3], $0x20, v3, vm0, $0xb8  }
0x20d: {  	v56 =	vld [tilespmem:s19+$0xC0];
	s19 =	sadd.s32 $0x1600, s29;
	v4 =	vadd.s32 v4, v51  }
0x20e: {  	v55 =	vld [tilespmem:s18+$0xC0];
	[tilespmem:s19], [sflag:$0x1] =	stream.indirect_vreg.gather [hbm4b:s5+s3], $0x20, v52, vm0, $0xb8  }
0x20f: {  	v0 =	vadd.s32 v0, v1;
	s18 =	sadd.s32 $0x1600, s30;
	v59 =	vld [tilespmem:s23+$0xC0]  }
0x210: {  	[tilespmem:s18], [sflag:$0x1] =	stream.indirect_vreg.gather [hbm4b:s5+s3], $0x20, v5, vm0, $0xb8;
	v60 =	vld [tilespmem:s24+$0xC0]  }
0x211: {  	v57 =	vld [tilespmem:s22+$0xC0];
	s22 =	sadd.s32 $0x1600, s31;
	v3 =	vadd.s32 v53, v54  }
0x212: {  	v58 =	vld [tilespmem:s20+$0xC0];
	[tilespmem:s22], [sflag:$0x1] =	stream.indirect_vreg.gather [hbm4b:s5+s3], $0x20, v4, vm0, $0xb8  }
0x213: {  	s23 =	sadd.s32 $0x1800, s21;
	v5 =	vadd.s32 v55, v56;
	v61 =	vld [tilespmem:s26+$0xC0]  }
0x214: {  	[tilespmem:s23], [sflag:$0x1] =	stream.indirect_vreg.gather [hbm4b:s5+s3], $0x20, v0, vm0, $0xb8;
	v62 =	vld [tilespmem:s0+$0xC0]  }
0x215: {  	s24 =	sadd.s32 $0x1800, s25;
	v63 =	vadd.s32 v59, v60  }
0x216: {  	[tilespmem:s24], [sflag:$0x1] =	stream.indirect_vreg.gather [hbm4b:s5+s3], $0x20, v3, vm0, $0xb8;
	[tilespmem:$0x1BA00] =	vst v63  }
0x217: {  	s25 =	sadd.s32 $0x1800, s28;
	v1 =	vadd.s32 v57, v58  }
0x218: {  	[tilespmem:s25], [sflag:$0x1] =	stream.indirect_vreg.gather [hbm4b:s5+s3], $0x20, v5, vm0, $0xb8;
	[tilespmem:$0x1BA00] =	vst v63  }
0x219: {  	s28 =	sadd.s32 $0x1800, s29;
	v0 =	vadd.s32 v61, v62  }
0x21a: {  	[tilespmem:s28], [sflag:$0x1] =	stream.indirect_vreg.gather [hbm4b:s5+s3], $0x20, v63, vm0, $0xb8;
	[tilespmem:$0x1BA00] =	vst v63  }
0x21b: {  	s26 =	sadd.s32 $0x1800, s30  }
0x21c: {  	[tilespmem:s26], [sflag:$0x1] =	stream.indirect_vreg.gather [hbm4b:s5+s3], $0x20, v1, vm0, $0xb8;
	[tilespmem:$0x1BA00] =	vst v63  }
0x21d: {  	s29 =	sadd.s32 $0x1800, s31  }
0x21e: {  	[tilespmem:s29], [sflag:$0x1] =	stream.indirect_vreg.gather [hbm4b:s5+s3], $0x20, v0, vm0, $0xb8;
	[tilespmem:$0x1BA00] =	vst v63  }
0x21f: {  	s14 =	sadd.s32 $0x1, s14;
	s30 =	smul.u32 $0x68, s15;
	_ =	swait.ge [sflag:s11], $0x1A000  }
0x220: {  	p0 =	sne.s32 s14, $0x4;
	s31 =	simm.s32 $0x1A00;
	[sflag:s11] =	ssyncset.done $0x0  }
.Ltmp1:
0x221: {  	s0 =	sadd.s32 s6, s30;
	[sflag:s11] =	ssyncadd.s32 $0xFFFE6000;
	(pc) =	sbr.rel @p0 .LBB2_2-.Ltmp1, $4  }
0x222: {  	[hbm4b:s0+s3] =	stream.linear.scatter [tilespmem:s31], [sflag:$0x2], $0x1A000, $0x38;
	[tilespmem:$0x1BA00] =	vst v63  }
0x223: {  	_ =	swait.ge [sflag:s10], $0x1A000  }
0x224: {  	[sflag:s10] =	ssyncset.done $0x0  }
0x225: {  	[sflag:s10] =	ssyncadd.s32 $0xFFFE6000  }
0x226: {  	s1 =	rddreg [dreg:$0x5]  }
0x227: {  	s0 =	rddreg [dreg:$0x4];
	s1 =	sadd.s32 $0x1, s1  }
0x228: {  	p0 =	sne.s32 s1, s0  }
.Ltmp2:
0x229: {  	_ = 	snop;
	(pc) =	sbr.rel @p0 .LBB2_1-.Ltmp2, $1  }
0x22a: {  	_ =	sdelay $0x3  }
0x22b: {  	_ =	sfence.sel $0x180000  }
0x22c: {  	[bflag:$0x0] =	sbarrier.arrive $0xFFFF  }
0x22d: {  	_ =	strace $0x90000047  }
0x22e: {  	s0 =	stileid.u32;
	[bflag:$0x2] =	sbarrier.arrive $0xFFFF  }
0x22f: {  	p0 =	sne.s32 s0, $0x0;
	s0 =	rddreg [dreg:$0x3]  }
0x230: {  	s0 =	sadd.s32 @!p0 $0x100000, s0  }
0x231: {  	[sflag:s0] =	ssyncadd.tile.s32 @!p0 $0x1;
	_ =	shalt  }
.Lfunc_end2:
_tile_overlayer_lowered:
.L_overlay_start_2:
0x232: {  	(tag) =	ssettag $0x2  }
0x233: {  	s0 =	rddreg [dreg:$0x0];
	s2 =	stileid.u32  }
0x234: {  	s1 =	rddreg [dreg:$0x1];
	p0 =	sne.s32 s2, $0x0  }
0x235: {  	s3 =	rddreg [dreg:$0x2];
	[bflag:$0x3] =	sbarrier.arrive $0xFFFF;
	s2 =	simm.s32 @!p0 $0x1C02  }
0x236: {  	[timem:s3], [sflag:s2] =	dma.local @!p0 [hbm:s0], s1  }
0x237: {  	s0 =	simm.s32 @!p0 $0x2  }
0x238: {  	_ =	swait.ge @!p0 [sflag:s0], s1  }
0x239: {  	s1 =	ssub.s32 @!p0 $0x0, s1;
	[sflag:s0] =	ssyncset.done @!p0 $0x0  }
0x23a: {  	[sflag:s0] =	ssyncadd.s32 @!p0 s1  }
0x23b: {  	[bflag:$0x3] =	sbarrier.arrive $0xFFFF  }
0x23c: {  	_ =	shalt  }

</sc_bundles>
